<compile_context>
chip_gen: v7x
topology: tpu7x:2x2x1
jax: 0.10.2.dev20260603
libtpu: 0.0.44.dev20260713+nightly
codegen_flags: <defaults>
</compile_context>

<pallas_src>
import functools

import jax
import jax.numpy as jnp
from jax import lax
from jax.experimental import pallas as pl
from jax.experimental.pallas import tpu as pltpu
from jax.experimental.pallas import tpu_sc as plsc

_NUM_SC_CORES = 2
_NUM_SC_SUBCORES = 16
_REP = 16


def _g0_body(q0_ref, g0_ref):
    C, R, W = g0_ref.shape
    g0_ref[...] = jnp.broadcast_to(q0_ref[...], (C, R, W))


def _g1_sc_body(c1_ref, out_ref, buf_ref, sem, *, B1, C, M0, N1):
    n_workers = _NUM_SC_CORES * _NUM_SC_SUBCORES
    rows_per_w = M0 // n_workers
    wid = lax.axis_index("s") * _NUM_SC_CORES + lax.axis_index("c")
    batch = wid // (n_workers // B1)
    row0 = wid * rows_per_w
    for c in range(C):
        src_off = (batch * C + c) * N1
        loads = [
            pltpu.make_async_copy(
                c1_ref.at[pl.ds(src_off, N1)],
                buf_ref.at[pl.ds(k * N1, N1)],
                sem,
            )
            for k in range(_REP)
        ]
        for cp in loads:
            cp.start()
        for cp in loads:
            cp.wait()
        stores = [
            pltpu.make_async_copy(
                buf_ref,
                out_ref.at[pl.ds((c * M0 + row0 + t * _REP) * N1, _REP * N1)],
                sem,
            )
            for t in range(rows_per_w // _REP)
        ]
        for cp in stores:
            cp.start()
        for cp in stores:
            cp.wait()


def kernel(cloud0, cloud1):
    B0, C, N0 = cloud0.shape
    B1, _, N1 = cloud1.shape
    M0, M1 = B0 * N0, B1 * N1
    pts0 = jnp.transpose(cloud0, (0, 2, 1)).reshape(M0, C)
    pts1 = jnp.transpose(cloud1, (0, 2, 1)).reshape(M1, C)
    q0 = jnp.transpose(cloud0, (1, 0, 2)).reshape(C, M0, 1)

    R = 256
    g0t = pl.pallas_call(
        _g0_body,
        grid=(M0 // R,),
        in_specs=[pl.BlockSpec((C, R, 1), lambda r: (0, r, 0))],
        out_specs=pl.BlockSpec((C, R, N1), lambda r: (0, r, 0)),
        out_shape=jax.ShapeDtypeStruct((C, M0, N1), jnp.float32),
        compiler_params=pltpu.CompilerParams(
            dimension_semantics=("parallel",),
        ),
    )(q0)

    sc_kernel = functools.partial(
        pl.kernel,
        mesh=plsc.VectorSubcoreMesh(core_axis_name="c", subcore_axis_name="s"),
        out_type=jax.ShapeDtypeStruct((C * M0 * N1,), jnp.float32),
        scratch_types=[
            pltpu.VMEM((_REP * N1,), jnp.float32),
            pltpu.SemaphoreType.DMA,
        ],
    )(functools.partial(_g1_sc_body, B1=B1, C=C, M0=M0, N1=N1))
    g1t = sc_kernel(cloud1.reshape(-1)).reshape(C, M0, N1)

    return (
        pts0,
        pts1,
        jnp.transpose(g0t, (1, 2, 0)),
        jnp.transpose(g1t, (1, 2, 0)),
    )

# --- scband reference (transcript-rebuilt; emitter-appended) ---
"""Pipeline reference for scband-global-grouping-24154896073196 (READ-ONLY COPY).

The authoritative reference and input builder live on the scoring server;
editing this copy changes nothing except your own understanding.
"""

import jax, jax.numpy as jnp
import numpy as np


def setup_inputs(seed: int = 0) -> dict:
    key = jax.random.key(seed)
    k0, k1 = jax.random.split(key)
    cloud0 = jax.random.normal(k0, (2, 3, 2048), dtype=jnp.float32)
    cloud1 = jax.random.normal(k1, (2, 3, 2048), dtype=jnp.float32)
    return {"cloud0": cloud0, "cloud1": cloud1}


def _prepare_batch(cloud):
    # cloud: [B, C, N] -> [B*N, C]
    return jnp.transpose(cloud, (0, 2, 1)).reshape(-1, cloud.shape[1])


def reference(cloud0, cloud1):
    B0, C, N0 = cloud0.shape
    B1, _, N1 = cloud1.shape
    pts0 = _prepare_batch(cloud0)  # [B0*N0, C]
    pts1 = _prepare_batch(cloud1)  # [B1*N1, C]
    M0 = pts0.shape[0]
    M1 = pts1.shape[0]
    # idx0: arange(M0) as column, repeated across N1 columns -> [M0, N1]
    idx0 = jnp.tile(jnp.arange(M0, dtype=jnp.int64)[:, None], (1, N1))
    # idx1: arange(M1) viewed as [B1, N1], repeated N0 times along dim 1, reshaped to [M0, N1]
    idx1 = jnp.tile(jnp.arange(M1, dtype=jnp.int64).reshape(B1, -1), (1, N0)).reshape(idx0.shape)
    group_index = jnp.stack((idx0, idx1))
    group_pts0 = jnp.take(pts0, group_index[0], axis=0)  # [M0, N1, C]
    group_pts1 = jnp.take(pts1, group_index[1], axis=0)  # [M0, N1, C]
    return (pts0, pts1, group_pts0, group_pts1)

if __name__ == "__main__":
    import jax
    _d = setup_inputs()
    print(jax.jit(kernel)(*tuple(_d.values())))

</pallas_src>

<mosaic_0001>
#map = affine_map<(d0, d1) -> (0)>
module attributes {stable_mosaic.version = 14 : i64} {
  func.func @_g1_sc_body(%arg0: i32, %arg1: i32, %arg2: memref<12288xf32, #tpu.memory_space<hbm>>, %arg3: memref<25165824xf32, #tpu.memory_space<hbm>>, %arg4: memref<32768xf32, #tpu.memory_space<vmem>>, %arg5: memref<!tpu.dma_semaphore, #tpu.memory_space<semaphore_mem>>) attributes {dimension_semantics = [#tpu.dimension_semantics<core_parallel>, #tpu.dimension_semantics<subcore_parallel>], iteration_bounds = array<i64: 2, 16>, scalar_prefetch = 0 : i64, scratch_operands = 2 : i64, tpu.core_type = #tpu.core_type<sc_vector_subcore>, window_params = [{transform_indices = #map}, {transform_indices = #map}]} {
    %mul3A = arith.constant 2 : i32
    %mul3A_0 = arith.muli %arg1, %mul3A : i32
    %add3A = arith.addi %mul3A_0, %arg0 : i32
    %jit3A = arith.constant 16 : i32
    %div3A = arith.divsi %add3A, %jit3A : i32
    %sign3A = arith.constant 0 : i32
    %sign3A_1 = arith.cmpi sgt, %add3A, %sign3A : i32
    %sign3A_2 = arith.extui %sign3A_1 : i1 to i32
    %sign3A_3 = arith.constant 0 : i32
    %sign3A_4 = arith.cmpi slt, %add3A, %sign3A_3 : i32
    %sign3A_5 = arith.extui %sign3A_4 : i1 to i32
    %sign3A_6 = arith.subi %sign3A_2, %sign3A_5 : i32
    %sign3A_7 = arith.constant 0 : i32
    %sign3A_8 = arith.cmpi sgt, %jit3A, %sign3A_7 : i32
    %sign3A_9 = arith.extui %sign3A_8 : i1 to i32
    %sign3A_10 = arith.constant 0 : i32
    %sign3A_11 = arith.cmpi slt, %jit3A, %sign3A_10 : i32
    %sign3A_12 = arith.extui %sign3A_11 : i1 to i32
    %sign3A_13 = arith.subi %sign3A_9, %sign3A_12 : i32
    %ne3A = arith.cmpi ne, %sign3A_6, %sign3A_13 : i32
    %rem3A = arith.remsi %add3A, %jit3A : i32
    %ne3A_14 = arith.constant 0 : i32
    %ne3A_15 = arith.cmpi ne, %rem3A, %ne3A_14 : i32
    %and3A = arith.andi %ne3A, %ne3A_15 : i1
    %sub3A = arith.constant 1 : i32
    %sub3A_16 = arith.subi %div3A, %sub3A : i32
    %select_n3A = arith.select %and3A, %sub3A_16, %div3A : i32
    %mul3A_17 = arith.constant 128 : i32
    %mul3A_18 = arith.muli %add3A, %mul3A_17 : i32
    %mul3A_19 = arith.constant 3 : i32
    %mul3A_20 = arith.muli %select_n3A, %mul3A_19 : i32
    %add3A_21 = arith.constant 0 : i32
    %add3A_22 = arith.addi %mul3A_20, %add3A_21 : i32
    %mul3A_23 = arith.constant 2048 : i32
    %mul3A_24 = arith.muli %add3A_22, %mul3A_23 : i32
    %dma_start3A = arith.constant 0 : i32
    %dma_start3A_25 = tpu.memref_slice %arg4[%dma_start3A] : memref<32768xf32, #tpu.memory_space<vmem>> -> memref<2048xf32, #tpu.memory_space<vmem>>
    %dma_start3A_26 = tpu.memref_slice %arg2[%mul3A_24] : memref<12288xf32, #tpu.memory_space<hbm>> -> memref<2048xf32, #tpu.memory_space<hbm>>
    %dma_start3A_27 = arith.constant 0 : i32
    %dma_start3A_28 = tpu.memref_slice %arg4[%dma_start3A_27] : memref<32768xf32, #tpu.memory_space<vmem>> -> memref<2048xf32, #tpu.memory_space<vmem>>
    %dma_start3A_29 = tpu.memref_slice %arg2[%mul3A_24] : memref<12288xf32, #tpu.memory_space<hbm>> -> memref<2048xf32, #tpu.memory_space<hbm>>
    tpu.enqueue_dma source(%dma_start3A_29 : memref<2048xf32, #tpu.memory_space<hbm>>) target(%dma_start3A_28 : memref<2048xf32, #tpu.memory_space<vmem>>) target_semaphore(%arg5 : memref<!tpu.dma_semaphore, #tpu.memory_space<semaphore_mem>>)
    %dma_start3A_30 = arith.constant 2048 : i32
    %dma_start3A_31 = tpu.memref_slice %arg4[%dma_start3A_30] : memref<32768xf32, #tpu.memory_space<vmem>> -> memref<2048xf32, #tpu.memory_space<vmem>>
    %dma_start3A_32 = tpu.memref_slice %arg2[%mul3A_24] : memref<12288xf32, #tpu.memory_space<hbm>> -> memref<2048xf32, #tpu.memory_space<hbm>>
    %dma_start3A_33 = arith.constant 2048 : i32
    %dma_start3A_34 = tpu.memref_slice %arg4[%dma_start3A_33] : memref<32768xf32, #tpu.memory_space<vmem>> -> memref<2048xf32, #tpu.memory_space<vmem>>
    %dma_start3A_35 = tpu.memref_slice %arg2[%mul3A_24] : memref<12288xf32, #tpu.memory_space<hbm>> -> memref<2048xf32, #tpu.memory_space<hbm>>
    tpu.enqueue_dma source(%dma_start3A_35 : memref<2048xf32, #tpu.memory_space<hbm>>) target(%dma_start3A_34 : memref<2048xf32, #tpu.memory_space<vmem>>) target_semaphore(%arg5 : memref<!tpu.dma_semaphore, #tpu.memory_space<semaphore_mem>>)
    %dma_start3A_36 = arith.constant 4096 : i32
    %dma_start3A_37 = tpu.memref_slice %arg4[%dma_start3A_36] : memref<32768xf32, #tpu.memory_space<vmem>> -> memref<2048xf32, #tpu.memory_space<vmem>>
    %dma_start3A_38 = tpu.memref_slice %arg2[%mul3A_24] : memref<12288xf32, #tpu.memory_space<hbm>> -> memref<2048xf32, #tpu.memory_space<hbm>>
    %dma_start3A_39 = arith.constant 4096 : i32
    %dma_start3A_40 = tpu.memref_slice %arg4[%dma_start3A_39] : memref<32768xf32, #tpu.memory_space<vmem>> -> memref<2048xf32, #tpu.memory_space<vmem>>
    %dma_start3A_41 = tpu.memref_slice %arg2[%mul3A_24] : memref<12288xf32, #tpu.memory_space<hbm>> -> memref<2048xf32, #tpu.memory_space<hbm>>
    tpu.enqueue_dma source(%dma_start3A_41 : memref<2048xf32, #tpu.memory_space<hbm>>) target(%dma_start3A_40 : memref<2048xf32, #tpu.memory_space<vmem>>) target_semaphore(%arg5 : memref<!tpu.dma_semaphore, #tpu.memory_space<semaphore_mem>>)
    %dma_start3A_42 = arith.constant 6144 : i32
    %dma_start3A_43 = tpu.memref_slice %arg4[%dma_start3A_42] : memref<32768xf32, #tpu.memory_space<vmem>> -> memref<2048xf32, #tpu.memory_space<vmem>>
    %dma_start3A_44 = tpu.memref_slice %arg2[%mul3A_24] : memref<12288xf32, #tpu.memory_space<hbm>> -> memref<2048xf32, #tpu.memory_space<hbm>>
    %dma_start3A_45 = arith.constant 6144 : i32
    %dma_start3A_46 = tpu.memref_slice %arg4[%dma_start3A_45] : memref<32768xf32, #tpu.memory_space<vmem>> -> memref<2048xf32, #tpu.memory_space<vmem>>
    %dma_start3A_47 = tpu.memref_slice %arg2[%mul3A_24] : memref<12288xf32, #tpu.memory_space<hbm>> -> memref<2048xf32, #tpu.memory_space<hbm>>
    tpu.enqueue_dma source(%dma_start3A_47 : memref<2048xf32, #tpu.memory_space<hbm>>) target(%dma_start3A_46 : memref<2048xf32, #tpu.memory_space<vmem>>) target_semaphore(%arg5 : memref<!tpu.dma_semaphore, #tpu.memory_space<semaphore_mem>>)
    %dma_start3A_48 = arith.constant 8192 : i32
    %dma_start3A_49 = tpu.memref_slice %arg4[%dma_start3A_48] : memref<32768xf32, #tpu.memory_space<vmem>> -> memref<2048xf32, #tpu.memory_space<vmem>>
    %dma_start3A_50 = tpu.memref_slice %arg2[%mul3A_24] : memref<12288xf32, #tpu.memory_space<hbm>> -> memref<2048xf32, #tpu.memory_space<hbm>>
    %dma_start3A_51 = arith.constant 8192 : i32
    %dma_start3A_52 = tpu.memref_slice %arg4[%dma_start3A_51] : memref<32768xf32, #tpu.memory_space<vmem>> -> memref<2048xf32, #tpu.memory_space<vmem>>
    %dma_start3A_53 = tpu.memref_slice %arg2[%mul3A_24] : memref<12288xf32, #tpu.memory_space<hbm>> -> memref<2048xf32, #tpu.memory_space<hbm>>
    tpu.enqueue_dma source(%dma_start3A_53 : memref<2048xf32, #tpu.memory_space<hbm>>) target(%dma_start3A_52 : memref<2048xf32, #tpu.memory_space<vmem>>) target_semaphore(%arg5 : memref<!tpu.dma_semaphore, #tpu.memory_space<semaphore_mem>>)
    %dma_start3A_54 = arith.constant 10240 : i32
    %dma_start3A_55 = tpu.memref_slice %arg4[%dma_start3A_54] : memref<32768xf32, #tpu.memory_space<vmem>> -> memref<2048xf32, #tpu.memory_space<vmem>>
    %dma_start3A_56 = tpu.memref_slice %arg2[%mul3A_24] : memref<12288xf32, #tpu.memory_space<hbm>> -> memref<2048xf32, #tpu.memory_space<hbm>>
    %dma_start3A_57 = arith.constant 10240 : i32
    %dma_start3A_58 = tpu.memref_slice %arg4[%dma_start3A_57] : memref<32768xf32, #tpu.memory_space<vmem>> -> memref<2048xf32, #tpu.memory_space<vmem>>
    %dma_start3A_59 = tpu.memref_slice %arg2[%mul3A_24] : memref<12288xf32, #tpu.memory_space<hbm>> -> memref<2048xf32, #tpu.memory_space<hbm>>
    tpu.enqueue_dma source(%dma_start3A_59 : memref<2048xf32, #tpu.memory_space<hbm>>) target(%dma_start3A_58 : memref<2048xf32, #tpu.memory_space<vmem>>) target_semaphore(%arg5 : memref<!tpu.dma_semaphore, #tpu.memory_space<semaphore_mem>>)
    %dma_start3A_60 = arith.constant 12288 : i32
    %dma_start3A_61 = tpu.memref_slice %arg4[%dma_start3A_60] : memref<32768xf32, #tpu.memory_space<vmem>> -> memref<2048xf32, #tpu.memory_space<vmem>>
    %dma_start3A_62 = tpu.memref_slice %arg2[%mul3A_24] : memref<12288xf32, #tpu.memory_space<hbm>> -> memref<2048xf32, #tpu.memory_space<hbm>>
    %dma_start3A_63 = arith.constant 12288 : i32
    %dma_start3A_64 = tpu.memref_slice %arg4[%dma_start3A_63] : memref<32768xf32, #tpu.memory_space<vmem>> -> memref<2048xf32, #tpu.memory_space<vmem>>
    %dma_start3A_65 = tpu.memref_slice %arg2[%mul3A_24] : memref<12288xf32, #tpu.memory_space<hbm>> -> memref<2048xf32, #tpu.memory_space<hbm>>
    tpu.enqueue_dma source(%dma_start3A_65 : memref<2048xf32, #tpu.memory_space<hbm>>) target(%dma_start3A_64 : memref<2048xf32, #tpu.memory_space<vmem>>) target_semaphore(%arg5 : memref<!tpu.dma_semaphore, #tpu.memory_space<semaphore_mem>>)
    %dma_start3A_66 = arith.constant 14336 : i32
    %dma_start3A_67 = tpu.memref_slice %arg4[%dma_start3A_66] : memref<32768xf32, #tpu.memory_space<vmem>> -> memref<2048xf32, #tpu.memory_space<vmem>>
    %dma_start3A_68 = tpu.memref_slice %arg2[%mul3A_24] : memref<12288xf32, #tpu.memory_space<hbm>> -> memref<2048xf32, #tpu.memory_space<hbm>>
    %dma_start3A_69 = arith.constant 14336 : i32
    %dma_start3A_70 = tpu.memref_slice %arg4[%dma_start3A_69] : memref<32768xf32, #tpu.memory_space<vmem>> -> memref<2048xf32, #tpu.memory_space<vmem>>
    %dma_start3A_71 = tpu.memref_slice %arg2[%mul3A_24] : memref<12288xf32, #tpu.memory_space<hbm>> -> memref<2048xf32, #tpu.memory_space<hbm>>
    tpu.enqueue_dma source(%dma_start3A_71 : memref<2048xf32, #tpu.memory_space<hbm>>) target(%dma_start3A_70 : memref<2048xf32, #tpu.memory_space<vmem>>) target_semaphore(%arg5 : memref<!tpu.dma_semaphore, #tpu.memory_space<semaphore_mem>>)
    %dma_start3A_72 = arith.constant 16384 : i32
    %dma_start3A_73 = tpu.memref_slice %arg4[%dma_start3A_72] : memref<32768xf32, #tpu.memory_space<vmem>> -> memref<2048xf32, #tpu.memory_space<vmem>>
    %dma_start3A_74 = tpu.memref_slice %arg2[%mul3A_24] : memref<12288xf32, #tpu.memory_space<hbm>> -> memref<2048xf32, #tpu.memory_space<hbm>>
    %dma_start3A_75 = arith.constant 16384 : i32
    %dma_start3A_76 = tpu.memref_slice %arg4[%dma_start3A_75] : memref<32768xf32, #tpu.memory_space<vmem>> -> memref<2048xf32, #tpu.memory_space<vmem>>
    %dma_start3A_77 = tpu.memref_slice %arg2[%mul3A_24] : memref<12288xf32, #tpu.memory_space<hbm>> -> memref<2048xf32, #tpu.memory_space<hbm>>
    tpu.enqueue_dma source(%dma_start3A_77 : memref<2048xf32, #tpu.memory_space<hbm>>) target(%dma_start3A_76 : memref<2048xf32, #tpu.memory_space<vmem>>) target_semaphore(%arg5 : memref<!tpu.dma_semaphore, #tpu.memory_space<semaphore_mem>>)
    %dma_start3A_78 = arith.constant 18432 : i32
    %dma_start3A_79 = tpu.memref_slice %arg4[%dma_start3A_78] : memref<32768xf32, #tpu.memory_space<vmem>> -> memref<2048xf32, #tpu.memory_space<vmem>>
    %dma_start3A_80 = tpu.memref_slice %arg2[%mul3A_24] : memref<12288xf32, #tpu.memory_space<hbm>> -> memref<2048xf32, #tpu.memory_space<hbm>>
    %dma_start3A_81 = arith.constant 18432 : i32
    %dma_start3A_82 = tpu.memref_slice %arg4[%dma_start3A_81] : memref<32768xf32, #tpu.memory_space<vmem>> -> memref<2048xf32, #tpu.memory_space<vmem>>
    %dma_start3A_83 = tpu.memref_slice %arg2[%mul3A_24] : memref<12288xf32, #tpu.memory_space<hbm>> -> memref<2048xf32, #tpu.memory_space<hbm>>
    tpu.enqueue_dma source(%dma_start3A_83 : memref<2048xf32, #tpu.memory_space<hbm>>) target(%dma_start3A_82 : memref<2048xf32, #tpu.memory_space<vmem>>) target_semaphore(%arg5 : memref<!tpu.dma_semaphore, #tpu.memory_space<semaphore_mem>>)
    %dma_start3A_84 = arith.constant 20480 : i32
    %dma_start3A_85 = tpu.memref_slice %arg4[%dma_start3A_84] : memref<32768xf32, #tpu.memory_space<vmem>> -> memref<2048xf32, #tpu.memory_space<vmem>>
    %dma_start3A_86 = tpu.memref_slice %arg2[%mul3A_24] : memref<12288xf32, #tpu.memory_space<hbm>> -> memref<2048xf32, #tpu.memory_space<hbm>>
    %dma_start3A_87 = arith.constant 20480 : i32
    %dma_start3A_88 = tpu.memref_slice %arg4[%dma_start3A_87] : memref<32768xf32, #tpu.memory_space<vmem>> -> memref<2048xf32, #tpu.memory_space<vmem>>
    %dma_start3A_89 = tpu.memref_slice %arg2[%mul3A_24] : memref<12288xf32, #tpu.memory_space<hbm>> -> memref<2048xf32, #tpu.memory_space<hbm>>
    tpu.enqueue_dma source(%dma_start3A_89 : memref<2048xf32, #tpu.memory_space<hbm>>) target(%dma_start3A_88 : memref<2048xf32, #tpu.memory_space<vmem>>) target_semaphore(%arg5 : memref<!tpu.dma_semaphore, #tpu.memory_space<semaphore_mem>>)
    %dma_start3A_90 = arith.constant 22528 : i32
    %dma_start3A_91 = tpu.memref_slice %arg4[%dma_start3A_90] : memref<32768xf32, #tpu.memory_space<vmem>> -> memref<2048xf32, #tpu.memory_space<vmem>>
    %dma_start3A_92 = tpu.memref_slice %arg2[%mul3A_24] : memref<12288xf32, #tpu.memory_space<hbm>> -> memref<2048xf32, #tpu.memory_space<hbm>>
    %dma_start3A_93 = arith.constant 22528 : i32
    %dma_start3A_94 = tpu.memref_slice %arg4[%dma_start3A_93] : memref<32768xf32, #tpu.memory_space<vmem>> -> memref<2048xf32, #tpu.memory_space<vmem>>
    %dma_start3A_95 = tpu.memref_slice %arg2[%mul3A_24] : memref<12288xf32, #tpu.memory_space<hbm>> -> memref<2048xf32, #tpu.memory_space<hbm>>
    tpu.enqueue_dma source(%dma_start3A_95 : memref<2048xf32, #tpu.memory_space<hbm>>) target(%dma_start3A_94 : memref<2048xf32, #tpu.memory_space<vmem>>) target_semaphore(%arg5 : memref<!tpu.dma_semaphore, #tpu.memory_space<semaphore_mem>>)
    %dma_start3A_96 = arith.constant 24576 : i32
    %dma_start3A_97 = tpu.memref_slice %arg4[%dma_start3A_96] : memref<32768xf32, #tpu.memory_space<vmem>> -> memref<2048xf32, #tpu.memory_space<vmem>>
    %dma_start3A_98 = tpu.memref_slice %arg2[%mul3A_24] : memref<12288xf32, #tpu.memory_space<hbm>> -> memref<2048xf32, #tpu.memory_space<hbm>>
    %dma_start3A_99 = arith.constant 24576 : i32
    %dma_start3A_100 = tpu.memref_slice %arg4[%dma_start3A_99] : memref<32768xf32, #tpu.memory_space<vmem>> -> memref<2048xf32, #tpu.memory_space<vmem>>
    %dma_start3A_101 = tpu.memref_slice %arg2[%mul3A_24] : memref<12288xf32, #tpu.memory_space<hbm>> -> memref<2048xf32, #tpu.memory_space<hbm>>
    tpu.enqueue_dma source(%dma_start3A_101 : memref<2048xf32, #tpu.memory_space<hbm>>) target(%dma_start3A_100 : memref<2048xf32, #tpu.memory_space<vmem>>) target_semaphore(%arg5 : memref<!tpu.dma_semaphore, #tpu.memory_space<semaphore_mem>>)
    %dma_start3A_102 = arith.constant 26624 : i32
    %dma_start3A_103 = tpu.memref_slice %arg4[%dma_start3A_102] : memref<32768xf32, #tpu.memory_space<vmem>> -> memref<2048xf32, #tpu.memory_space<vmem>>
    %dma_start3A_104 = tpu.memref_slice %arg2[%mul3A_24] : memref<12288xf32, #tpu.memory_space<hbm>> -> memref<2048xf32, #tpu.memory_space<hbm>>
    %dma_start3A_105 = arith.constant 26624 : i32
    %dma_start3A_106 = tpu.memref_slice %arg4[%dma_start3A_105] : memref<32768xf32, #tpu.memory_space<vmem>> -> memref<2048xf32, #tpu.memory_space<vmem>>
    %dma_start3A_107 = tpu.memref_slice %arg2[%mul3A_24] : memref<12288xf32, #tpu.memory_space<hbm>> -> memref<2048xf32, #tpu.memory_space<hbm>>
    tpu.enqueue_dma source(%dma_start3A_107 : memref<2048xf32, #tpu.memory_space<hbm>>) target(%dma_start3A_106 : memref<2048xf32, #tpu.memory_space<vmem>>) target_semaphore(%arg5 : memref<!tpu.dma_semaphore, #tpu.memory_space<semaphore_mem>>)
    %dma_start3A_108 = arith.constant 28672 : i32
    %dma_start3A_109 = tpu.memref_slice %arg4[%dma_start3A_108] : memref<32768xf32, #tpu.memory_space<vmem>> -> memref<2048xf32, #tpu.memory_space<vmem>>
    %dma_start3A_110 = tpu.memref_slice %arg2[%mul3A_24] : memref<12288xf32, #tpu.memory_space<hbm>> -> memref<2048xf32, #tpu.memory_space<hbm>>
    %dma_start3A_111 = arith.constant 28672 : i32
    %dma_start3A_112 = tpu.memref_slice %arg4[%dma_start3A_111] : memref<32768xf32, #tpu.memory_space<vmem>> -> memref<2048xf32, #tpu.memory_space<vmem>>
    %dma_start3A_113 = tpu.memref_slice %arg2[%mul3A_24] : memref<12288xf32, #tpu.memory_space<hbm>> -> memref<2048xf32, #tpu.memory_space<hbm>>
    tpu.enqueue_dma source(%dma_start3A_113 : memref<2048xf32, #tpu.memory_space<hbm>>) target(%dma_start3A_112 : memref<2048xf32, #tpu.memory_space<vmem>>) target_semaphore(%arg5 : memref<!tpu.dma_semaphore, #tpu.memory_space<semaphore_mem>>)
    %dma_start3A_114 = arith.constant 30720 : i32
    %dma_start3A_115 = tpu.memref_slice %arg4[%dma_start3A_114] : memref<32768xf32, #tpu.memory_space<vmem>> -> memref<2048xf32, #tpu.memory_space<vmem>>
    %dma_start3A_116 = tpu.memref_slice %arg2[%mul3A_24] : memref<12288xf32, #tpu.memory_space<hbm>> -> memref<2048xf32, #tpu.memory_space<hbm>>
    %dma_start3A_117 = arith.constant 30720 : i32
    %dma_start3A_118 = tpu.memref_slice %arg4[%dma_start3A_117] : memref<32768xf32, #tpu.memory_space<vmem>> -> memref<2048xf32, #tpu.memory_space<vmem>>
    %dma_start3A_119 = tpu.memref_slice %arg2[%mul3A_24] : memref<12288xf32, #tpu.memory_space<hbm>> -> memref<2048xf32, #tpu.memory_space<hbm>>
    tpu.enqueue_dma source(%dma_start3A_119 : memref<2048xf32, #tpu.memory_space<hbm>>) target(%dma_start3A_118 : memref<2048xf32, #tpu.memory_space<vmem>>) target_semaphore(%arg5 : memref<!tpu.dma_semaphore, #tpu.memory_space<semaphore_mem>>)
    %dma_wait3A = arith.constant 0 : i32
    %dma_wait3A_120 = tpu.memref_slice %arg4[%dma_wait3A] : memref<32768xf32, #tpu.memory_space<vmem>> -> memref<2048xf32, #tpu.memory_space<vmem>>
    %dma_wait3A_121 = tpu.memref_slice %arg2[%mul3A_24] : memref<12288xf32, #tpu.memory_space<hbm>> -> memref<2048xf32, #tpu.memory_space<hbm>>
    %dma_wait3A_122 = arith.constant 0 : i32
    %dma_wait3A_123 = tpu.memref_slice %arg4[%dma_wait3A_122] : memref<32768xf32, #tpu.memory_space<vmem>> -> memref<2048xf32, #tpu.memory_space<vmem>>
    %dma_wait3A_124 = tpu.memref_slice %arg2[%mul3A_24] : memref<12288xf32, #tpu.memory_space<hbm>> -> memref<2048xf32, #tpu.memory_space<hbm>>
    tpu.wait_dma2 semaphore(%arg5 : memref<!tpu.dma_semaphore, #tpu.memory_space<semaphore_mem>>) src(%dma_wait3A_124 : memref<2048xf32, #tpu.memory_space<hbm>>) dst(%dma_wait3A_123 : memref<2048xf32, #tpu.memory_space<vmem>>)
    %dma_wait3A_125 = arith.constant 2048 : i32
    %dma_wait3A_126 = tpu.memref_slice %arg4[%dma_wait3A_125] : memref<32768xf32, #tpu.memory_space<vmem>> -> memref<2048xf32, #tpu.memory_space<vmem>>
    %dma_wait3A_127 = tpu.memref_slice %arg2[%mul3A_24] : memref<12288xf32, #tpu.memory_space<hbm>> -> memref<2048xf32, #tpu.memory_space<hbm>>
    %dma_wait3A_128 = arith.constant 2048 : i32
    %dma_wait3A_129 = tpu.memref_slice %arg4[%dma_wait3A_128] : memref<32768xf32, #tpu.memory_space<vmem>> -> memref<2048xf32, #tpu.memory_space<vmem>>
    %dma_wait3A_130 = tpu.memref_slice %arg2[%mul3A_24] : memref<12288xf32, #tpu.memory_space<hbm>> -> memref<2048xf32, #tpu.memory_space<hbm>>
    tpu.wait_dma2 semaphore(%arg5 : memref<!tpu.dma_semaphore, #tpu.memory_space<semaphore_mem>>) src(%dma_wait3A_130 : memref<2048xf32, #tpu.memory_space<hbm>>) dst(%dma_wait3A_129 : memref<2048xf32, #tpu.memory_space<vmem>>)
    %dma_wait3A_131 = arith.constant 4096 : i32
    %dma_wait3A_132 = tpu.memref_slice %arg4[%dma_wait3A_131] : memref<32768xf32, #tpu.memory_space<vmem>> -> memref<2048xf32, #tpu.memory_space<vmem>>
    %dma_wait3A_133 = tpu.memref_slice %arg2[%mul3A_24] : memref<12288xf32, #tpu.memory_space<hbm>> -> memref<2048xf32, #tpu.memory_space<hbm>>
    %dma_wait3A_134 = arith.constant 4096 : i32
    %dma_wait3A_135 = tpu.memref_slice %arg4[%dma_wait3A_134] : memref<32768xf32, #tpu.memory_space<vmem>> -> memref<2048xf32, #tpu.memory_space<vmem>>
    %dma_wait3A_136 = tpu.memref_slice %arg2[%mul3A_24] : memref<12288xf32, #tpu.memory_space<hbm>> -> memref<2048xf32, #tpu.memory_space<hbm>>
    tpu.wait_dma2 semaphore(%arg5 : memref<!tpu.dma_semaphore, #tpu.memory_space<semaphore_mem>>) src(%dma_wait3A_136 : memref<2048xf32, #tpu.memory_space<hbm>>) dst(%dma_wait3A_135 : memref<2048xf32, #tpu.memory_space<vmem>>)
    %dma_wait3A_137 = arith.constant 6144 : i32
    %dma_wait3A_138 = tpu.memref_slice %arg4[%dma_wait3A_137] : memref<32768xf32, #tpu.memory_space<vmem>> -> memref<2048xf32, #tpu.memory_space<vmem>>
    %dma_wait3A_139 = tpu.memref_slice %arg2[%mul3A_24] : memref<12288xf32, #tpu.memory_space<hbm>> -> memref<2048xf32, #tpu.memory_space<hbm>>
    %dma_wait3A_140 = arith.constant 6144 : i32
    %dma_wait3A_141 = tpu.memref_slice %arg4[%dma_wait3A_140] : memref<32768xf32, #tpu.memory_space<vmem>> -> memref<2048xf32, #tpu.memory_space<vmem>>
    %dma_wait3A_142 = tpu.memref_slice %arg2[%mul3A_24] : memref<12288xf32, #tpu.memory_space<hbm>> -> memref<2048xf32, #tpu.memory_space<hbm>>
    tpu.wait_dma2 semaphore(%arg5 : memref<!tpu.dma_semaphore, #tpu.memory_space<semaphore_mem>>) src(%dma_wait3A_142 : memref<2048xf32, #tpu.memory_space<hbm>>) dst(%dma_wait3A_141 : memref<2048xf32, #tpu.memory_space<vmem>>)
    %dma_wait3A_143 = arith.constant 8192 : i32
    %dma_wait3A_144 = tpu.memref_slice %arg4[%dma_wait3A_143] : memref<32768xf32, #tpu.memory_space<vmem>> -> memref<2048xf32, #tpu.memory_space<vmem>>
    %dma_wait3A_145 = tpu.memref_slice %arg2[%mul3A_24] : memref<12288xf32, #tpu.memory_space<hbm>> -> memref<2048xf32, #tpu.memory_space<hbm>>
    %dma_wait3A_146 = arith.constant 8192 : i32
    %dma_wait3A_147 = tpu.memref_slice %arg4[%dma_wait3A_146] : memref<32768xf32, #tpu.memory_space<vmem>> -> memref<2048xf32, #tpu.memory_space<vmem>>
    %dma_wait3A_148 = tpu.memref_slice %arg2[%mul3A_24] : memref<12288xf32, #tpu.memory_space<hbm>> -> memref<2048xf32, #tpu.memory_space<hbm>>
    tpu.wait_dma2 semaphore(%arg5 : memref<!tpu.dma_semaphore, #tpu.memory_space<semaphore_mem>>) src(%dma_wait3A_148 : memref<2048xf32, #tpu.memory_space<hbm>>) dst(%dma_wait3A_147 : memref<2048xf32, #tpu.memory_space<vmem>>)
    %dma_wait3A_149 = arith.constant 10240 : i32
    %dma_wait3A_150 = tpu.memref_slice %arg4[%dma_wait3A_149] : memref<32768xf32, #tpu.memory_space<vmem>> -> memref<2048xf32, #tpu.memory_space<vmem>>
    %dma_wait3A_151 = tpu.memref_slice %arg2[%mul3A_24] : memref<12288xf32, #tpu.memory_space<hbm>> -> memref<2048xf32, #tpu.memory_space<hbm>>
    %dma_wait3A_152 = arith.constant 10240 : i32
    %dma_wait3A_153 = tpu.memref_slice %arg4[%dma_wait3A_152] : memref<32768xf32, #tpu.memory_space<vmem>> -> memref<2048xf32, #tpu.memory_space<vmem>>
    %dma_wait3A_154 = tpu.memref_slice %arg2[%mul3A_24] : memref<12288xf32, #tpu.memory_space<hbm>> -> memref<2048xf32, #tpu.memory_space<hbm>>
    tpu.wait_dma2 semaphore(%arg5 : memref<!tpu.dma_semaphore, #tpu.memory_space<semaphore_mem>>) src(%dma_wait3A_154 : memref<2048xf32, #tpu.memory_space<hbm>>) dst(%dma_wait3A_153 : memref<2048xf32, #tpu.memory_space<vmem>>)
    %dma_wait3A_155 = arith.constant 12288 : i32
    %dma_wait3A_156 = tpu.memref_slice %arg4[%dma_wait3A_155] : memref<32768xf32, #tpu.memory_space<vmem>> -> memref<2048xf32, #tpu.memory_space<vmem>>
    %dma_wait3A_157 = tpu.memref_slice %arg2[%mul3A_24] : memref<12288xf32, #tpu.memory_space<hbm>> -> memref<2048xf32, #tpu.memory_space<hbm>>
    %dma_wait3A_158 = arith.constant 12288 : i32
    %dma_wait3A_159 = tpu.memref_slice %arg4[%dma_wait3A_158] : memref<32768xf32, #tpu.memory_space<vmem>> -> memref<2048xf32, #tpu.memory_space<vmem>>
    %dma_wait3A_160 = tpu.memref_slice %arg2[%mul3A_24] : memref<12288xf32, #tpu.memory_space<hbm>> -> memref<2048xf32, #tpu.memory_space<hbm>>
    tpu.wait_dma2 semaphore(%arg5 : memref<!tpu.dma_semaphore, #tpu.memory_space<semaphore_mem>>) src(%dma_wait3A_160 : memref<2048xf32, #tpu.memory_space<hbm>>) dst(%dma_wait3A_159 : memref<2048xf32, #tpu.memory_space<vmem>>)
    %dma_wait3A_161 = arith.constant 14336 : i32
    %dma_wait3A_162 = tpu.memref_slice %arg4[%dma_wait3A_161] : memref<32768xf32, #tpu.memory_space<vmem>> -> memref<2048xf32, #tpu.memory_space<vmem>>
    %dma_wait3A_163 = tpu.memref_slice %arg2[%mul3A_24] : memref<12288xf32, #tpu.memory_space<hbm>> -> memref<2048xf32, #tpu.memory_space<hbm>>
    %dma_wait3A_164 = arith.constant 14336 : i32
    %dma_wait3A_165 = tpu.memref_slice %arg4[%dma_wait3A_164] : memref<32768xf32, #tpu.memory_space<vmem>> -> memref<2048xf32, #tpu.memory_space<vmem>>
    %dma_wait3A_166 = tpu.memref_slice %arg2[%mul3A_24] : memref<12288xf32, #tpu.memory_space<hbm>> -> memref<2048xf32, #tpu.memory_space<hbm>>
    tpu.wait_dma2 semaphore(%arg5 : memref<!tpu.dma_semaphore, #tpu.memory_space<semaphore_mem>>) src(%dma_wait3A_166 : memref<2048xf32, #tpu.memory_space<hbm>>) dst(%dma_wait3A_165 : memref<2048xf32, #tpu.memory_space<vmem>>)
    %dma_wait3A_167 = arith.constant 16384 : i32
    %dma_wait3A_168 = tpu.memref_slice %arg4[%dma_wait3A_167] : memref<32768xf32, #tpu.memory_space<vmem>> -> memref<2048xf32, #tpu.memory_space<vmem>>
    %dma_wait3A_169 = tpu.memref_slice %arg2[%mul3A_24] : memref<12288xf32, #tpu.memory_space<hbm>> -> memref<2048xf32, #tpu.memory_space<hbm>>
    %dma_wait3A_170 = arith.constant 16384 : i32
    %dma_wait3A_171 = tpu.memref_slice %arg4[%dma_wait3A_170] : memref<32768xf32, #tpu.memory_space<vmem>> -> memref<2048xf32, #tpu.memory_space<vmem>>
    %dma_wait3A_172 = tpu.memref_slice %arg2[%mul3A_24] : memref<12288xf32, #tpu.memory_space<hbm>> -> memref<2048xf32, #tpu.memory_space<hbm>>
    tpu.wait_dma2 semaphore(%arg5 : memref<!tpu.dma_semaphore, #tpu.memory_space<semaphore_mem>>) src(%dma_wait3A_172 : memref<2048xf32, #tpu.memory_space<hbm>>) dst(%dma_wait3A_171 : memref<2048xf32, #tpu.memory_space<vmem>>)
    %dma_wait3A_173 = arith.constant 18432 : i32
    %dma_wait3A_174 = tpu.memref_slice %arg4[%dma_wait3A_173] : memref<32768xf32, #tpu.memory_space<vmem>> -> memref<2048xf32, #tpu.memory_space<vmem>>
    %dma_wait3A_175 = tpu.memref_slice %arg2[%mul3A_24] : memref<12288xf32, #tpu.memory_space<hbm>> -> memref<2048xf32, #tpu.memory_space<hbm>>
    %dma_wait3A_176 = arith.constant 18432 : i32
    %dma_wait3A_177 = tpu.memref_slice %arg4[%dma_wait3A_176] : memref<32768xf32, #tpu.memory_space<vmem>> -> memref<2048xf32, #tpu.memory_space<vmem>>
    %dma_wait3A_178 = tpu.memref_slice %arg2[%mul3A_24] : memref<12288xf32, #tpu.memory_space<hbm>> -> memref<2048xf32, #tpu.memory_space<hbm>>
    tpu.wait_dma2 semaphore(%arg5 : memref<!tpu.dma_semaphore, #tpu.memory_space<semaphore_mem>>) src(%dma_wait3A_178 : memref<2048xf32, #tpu.memory_space<hbm>>) dst(%dma_wait3A_177 : memref<2048xf32, #tpu.memory_space<vmem>>)
    %dma_wait3A_179 = arith.constant 20480 : i32
    %dma_wait3A_180 = tpu.memref_slice %arg4[%dma_wait3A_179] : memref<32768xf32, #tpu.memory_space<vmem>> -> memref<2048xf32, #tpu.memory_space<vmem>>
    %dma_wait3A_181 = tpu.memref_slice %arg2[%mul3A_24] : memref<12288xf32, #tpu.memory_space<hbm>> -> memref<2048xf32, #tpu.memory_space<hbm>>
    %dma_wait3A_182 = arith.constant 20480 : i32
    %dma_wait3A_183 = tpu.memref_slice %arg4[%dma_wait3A_182] : memref<32768xf32, #tpu.memory_space<vmem>> -> memref<2048xf32, #tpu.memory_space<vmem>>
    %dma_wait3A_184 = tpu.memref_slice %arg2[%mul3A_24] : memref<12288xf32, #tpu.memory_space<hbm>> -> memref<2048xf32, #tpu.memory_space<hbm>>
    tpu.wait_dma2 semaphore(%arg5 : memref<!tpu.dma_semaphore, #tpu.memory_space<semaphore_mem>>) src(%dma_wait3A_184 : memref<2048xf32, #tpu.memory_space<hbm>>) dst(%dma_wait3A_183 : memref<2048xf32, #tpu.memory_space<vmem>>)
    %dma_wait3A_185 = arith.constant 22528 : i32
    %dma_wait3A_186 = tpu.memref_slice %arg4[%dma_wait3A_185] : memref<32768xf32, #tpu.memory_space<vmem>> -> memref<2048xf32, #tpu.memory_space<vmem>>
    %dma_wait3A_187 = tpu.memref_slice %arg2[%mul3A_24] : memref<12288xf32, #tpu.memory_space<hbm>> -> memref<2048xf32, #tpu.memory_space<hbm>>
    %dma_wait3A_188 = arith.constant 22528 : i32
    %dma_wait3A_189 = tpu.memref_slice %arg4[%dma_wait3A_188] : memref<32768xf32, #tpu.memory_space<vmem>> -> memref<2048xf32, #tpu.memory_space<vmem>>
    %dma_wait3A_190 = tpu.memref_slice %arg2[%mul3A_24] : memref<12288xf32, #tpu.memory_space<hbm>> -> memref<2048xf32, #tpu.memory_space<hbm>>
    tpu.wait_dma2 semaphore(%arg5 : memref<!tpu.dma_semaphore, #tpu.memory_space<semaphore_mem>>) src(%dma_wait3A_190 : memref<2048xf32, #tpu.memory_space<hbm>>) dst(%dma_wait3A_189 : memref<2048xf32, #tpu.memory_space<vmem>>)
    %dma_wait3A_191 = arith.constant 24576 : i32
    %dma_wait3A_192 = tpu.memref_slice %arg4[%dma_wait3A_191] : memref<32768xf32, #tpu.memory_space<vmem>> -> memref<2048xf32, #tpu.memory_space<vmem>>
    %dma_wait3A_193 = tpu.memref_slice %arg2[%mul3A_24] : memref<12288xf32, #tpu.memory_space<hbm>> -> memref<2048xf32, #tpu.memory_space<hbm>>
    %dma_wait3A_194 = arith.constant 24576 : i32
    %dma_wait3A_195 = tpu.memref_slice %arg4[%dma_wait3A_194] : memref<32768xf32, #tpu.memory_space<vmem>> -> memref<2048xf32, #tpu.memory_space<vmem>>
    %dma_wait3A_196 = tpu.memref_slice %arg2[%mul3A_24] : memref<12288xf32, #tpu.memory_space<hbm>> -> memref<2048xf32, #tpu.memory_space<hbm>>
    tpu.wait_dma2 semaphore(%arg5 : memref<!tpu.dma_semaphore, #tpu.memory_space<semaphore_mem>>) src(%dma_wait3A_196 : memref<2048xf32, #tpu.memory_space<hbm>>) dst(%dma_wait3A_195 : memref<2048xf32, #tpu.memory_space<vmem>>)
    %dma_wait3A_197 = arith.constant 26624 : i32
    %dma_wait3A_198 = tpu.memref_slice %arg4[%dma_wait3A_197] : memref<32768xf32, #tpu.memory_space<vmem>> -> memref<2048xf32, #tpu.memory_space<vmem>>
    %dma_wait3A_199 = tpu.memref_slice %arg2[%mul3A_24] : memref<12288xf32, #tpu.memory_space<hbm>> -> memref<2048xf32, #tpu.memory_space<hbm>>
    %dma_wait3A_200 = arith.constant 26624 : i32
    %dma_wait3A_201 = tpu.memref_slice %arg4[%dma_wait3A_200] : memref<32768xf32, #tpu.memory_space<vmem>> -> memref<2048xf32, #tpu.memory_space<vmem>>
    %dma_wait3A_202 = tpu.memref_slice %arg2[%mul3A_24] : memref<12288xf32, #tpu.memory_space<hbm>> -> memref<2048xf32, #tpu.memory_space<hbm>>
    tpu.wait_dma2 semaphore(%arg5 : memref<!tpu.dma_semaphore, #tpu.memory_space<semaphore_mem>>) src(%dma_wait3A_202 : memref<2048xf32, #tpu.memory_space<hbm>>) dst(%dma_wait3A_201 : memref<2048xf32, #tpu.memory_space<vmem>>)
    %dma_wait3A_203 = arith.constant 28672 : i32
    %dma_wait3A_204 = tpu.memref_slice %arg4[%dma_wait3A_203] : memref<32768xf32, #tpu.memory_space<vmem>> -> memref<2048xf32, #tpu.memory_space<vmem>>
    %dma_wait3A_205 = tpu.memref_slice %arg2[%mul3A_24] : memref<12288xf32, #tpu.memory_space<hbm>> -> memref<2048xf32, #tpu.memory_space<hbm>>
    %dma_wait3A_206 = arith.constant 28672 : i32
    %dma_wait3A_207 = tpu.memref_slice %arg4[%dma_wait3A_206] : memref<32768xf32, #tpu.memory_space<vmem>> -> memref<2048xf32, #tpu.memory_space<vmem>>
    %dma_wait3A_208 = tpu.memref_slice %arg2[%mul3A_24] : memref<12288xf32, #tpu.memory_space<hbm>> -> memref<2048xf32, #tpu.memory_space<hbm>>
    tpu.wait_dma2 semaphore(%arg5 : memref<!tpu.dma_semaphore, #tpu.memory_space<semaphore_mem>>) src(%dma_wait3A_208 : memref<2048xf32, #tpu.memory_space<hbm>>) dst(%dma_wait3A_207 : memref<2048xf32, #tpu.memory_space<vmem>>)
    %dma_wait3A_209 = arith.constant 30720 : i32
    %dma_wait3A_210 = tpu.memref_slice %arg4[%dma_wait3A_209] : memref<32768xf32, #tpu.memory_space<vmem>> -> memref<2048xf32, #tpu.memory_space<vmem>>
    %dma_wait3A_211 = tpu.memref_slice %arg2[%mul3A_24] : memref<12288xf32, #tpu.memory_space<hbm>> -> memref<2048xf32, #tpu.memory_space<hbm>>
    %dma_wait3A_212 = arith.constant 30720 : i32
    %dma_wait3A_213 = tpu.memref_slice %arg4[%dma_wait3A_212] : memref<32768xf32, #tpu.memory_space<vmem>> -> memref<2048xf32, #tpu.memory_space<vmem>>
    %dma_wait3A_214 = tpu.memref_slice %arg2[%mul3A_24] : memref<12288xf32, #tpu.memory_space<hbm>> -> memref<2048xf32, #tpu.memory_space<hbm>>
    tpu.wait_dma2 semaphore(%arg5 : memref<!tpu.dma_semaphore, #tpu.memory_space<semaphore_mem>>) src(%dma_wait3A_214 : memref<2048xf32, #tpu.memory_space<hbm>>) dst(%dma_wait3A_213 : memref<2048xf32, #tpu.memory_space<vmem>>)
    %add3A_215 = arith.constant 0 : i32
    %add3A_216 = arith.addi %add3A_215, %mul3A_18 : i32
    %add3A_217 = arith.constant 0 : i32
    %add3A_218 = arith.addi %add3A_216, %add3A_217 : i32
    %mul3A_219 = arith.constant 2048 : i32
    %mul3A_220 = arith.muli %add3A_218, %mul3A_219 : i32
    %add3A_221 = arith.constant 0 : i32
    %add3A_222 = arith.addi %add3A_221, %mul3A_18 : i32
    %add3A_223 = arith.constant 16 : i32
    %add3A_224 = arith.addi %add3A_222, %add3A_223 : i32
    %mul3A_225 = arith.constant 2048 : i32
    %mul3A_226 = arith.muli %add3A_224, %mul3A_225 : i32
    %add3A_227 = arith.constant 0 : i32
    %add3A_228 = arith.addi %add3A_227, %mul3A_18 : i32
    %add3A_229 = arith.constant 32 : i32
    %add3A_230 = arith.addi %add3A_228, %add3A_229 : i32
    %mul3A_231 = arith.constant 2048 : i32
    %mul3A_232 = arith.muli %add3A_230, %mul3A_231 : i32
    %add3A_233 = arith.constant 0 : i32
    %add3A_234 = arith.addi %add3A_233, %mul3A_18 : i32
    %add3A_235 = arith.constant 48 : i32
    %add3A_236 = arith.addi %add3A_234, %add3A_235 : i32
    %mul3A_237 = arith.constant 2048 : i32
    %mul3A_238 = arith.muli %add3A_236, %mul3A_237 : i32
    %add3A_239 = arith.constant 0 : i32
    %add3A_240 = arith.addi %add3A_239, %mul3A_18 : i32
    %add3A_241 = arith.constant 64 : i32
    %add3A_242 = arith.addi %add3A_240, %add3A_241 : i32
    %mul3A_243 = arith.constant 2048 : i32
    %mul3A_244 = arith.muli %add3A_242, %mul3A_243 : i32
    %add3A_245 = arith.constant 0 : i32
    %add3A_246 = arith.addi %add3A_245, %mul3A_18 : i32
    %add3A_247 = arith.constant 80 : i32
    %add3A_248 = arith.addi %add3A_246, %add3A_247 : i32
    %mul3A_249 = arith.constant 2048 : i32
    %mul3A_250 = arith.muli %add3A_248, %mul3A_249 : i32
    %add3A_251 = arith.constant 0 : i32
    %add3A_252 = arith.addi %add3A_251, %mul3A_18 : i32
    %add3A_253 = arith.constant 96 : i32
    %add3A_254 = arith.addi %add3A_252, %add3A_253 : i32
    %mul3A_255 = arith.constant 2048 : i32
    %mul3A_256 = arith.muli %add3A_254, %mul3A_255 : i32
    %add3A_257 = arith.constant 0 : i32
    %add3A_258 = arith.addi %add3A_257, %mul3A_18 : i32
    %add3A_259 = arith.constant 112 : i32
    %add3A_260 = arith.addi %add3A_258, %add3A_259 : i32
    %mul3A_261 = arith.constant 2048 : i32
    %mul3A_262 = arith.muli %add3A_260, %mul3A_261 : i32
    %dma_start3A_263 = tpu.memref_slice %arg3[%mul3A_220] : memref<25165824xf32, #tpu.memory_space<hbm>> -> memref<32768xf32, #tpu.memory_space<hbm>>
    %dma_start3A_264 = tpu.memref_slice %arg3[%mul3A_220] : memref<25165824xf32, #tpu.memory_space<hbm>> -> memref<32768xf32, #tpu.memory_space<hbm>>
    tpu.enqueue_dma source(%arg4 : memref<32768xf32, #tpu.memory_space<vmem>>) target(%dma_start3A_264 : memref<32768xf32, #tpu.memory_space<hbm>>) target_semaphore(%arg5 : memref<!tpu.dma_semaphore, #tpu.memory_space<semaphore_mem>>)
    %dma_start3A_265 = tpu.memref_slice %arg3[%mul3A_226] : memref<25165824xf32, #tpu.memory_space<hbm>> -> memref<32768xf32, #tpu.memory_space<hbm>>
    %dma_start3A_266 = tpu.memref_slice %arg3[%mul3A_226] : memref<25165824xf32, #tpu.memory_space<hbm>> -> memref<32768xf32, #tpu.memory_space<hbm>>
    tpu.enqueue_dma source(%arg4 : memref<32768xf32, #tpu.memory_space<vmem>>) target(%dma_start3A_266 : memref<32768xf32, #tpu.memory_space<hbm>>) target_semaphore(%arg5 : memref<!tpu.dma_semaphore, #tpu.memory_space<semaphore_mem>>)
    %dma_start3A_267 = tpu.memref_slice %arg3[%mul3A_232] : memref<25165824xf32, #tpu.memory_space<hbm>> -> memref<32768xf32, #tpu.memory_space<hbm>>
    %dma_start3A_268 = tpu.memref_slice %arg3[%mul3A_232] : memref<25165824xf32, #tpu.memory_space<hbm>> -> memref<32768xf32, #tpu.memory_space<hbm>>
    tpu.enqueue_dma source(%arg4 : memref<32768xf32, #tpu.memory_space<vmem>>) target(%dma_start3A_268 : memref<32768xf32, #tpu.memory_space<hbm>>) target_semaphore(%arg5 : memref<!tpu.dma_semaphore, #tpu.memory_space<semaphore_mem>>)
    %dma_start3A_269 = tpu.memref_slice %arg3[%mul3A_238] : memref<25165824xf32, #tpu.memory_space<hbm>> -> memref<32768xf32, #tpu.memory_space<hbm>>
    %dma_start3A_270 = tpu.memref_slice %arg3[%mul3A_238] : memref<25165824xf32, #tpu.memory_space<hbm>> -> memref<32768xf32, #tpu.memory_space<hbm>>
    tpu.enqueue_dma source(%arg4 : memref<32768xf32, #tpu.memory_space<vmem>>) target(%dma_start3A_270 : memref<32768xf32, #tpu.memory_space<hbm>>) target_semaphore(%arg5 : memref<!tpu.dma_semaphore, #tpu.memory_space<semaphore_mem>>)
    %dma_start3A_271 = tpu.memref_slice %arg3[%mul3A_244] : memref<25165824xf32, #tpu.memory_space<hbm>> -> memref<32768xf32, #tpu.memory_space<hbm>>
    %dma_start3A_272 = tpu.memref_slice %arg3[%mul3A_244] : memref<25165824xf32, #tpu.memory_space<hbm>> -> memref<32768xf32, #tpu.memory_space<hbm>>
    tpu.enqueue_dma source(%arg4 : memref<32768xf32, #tpu.memory_space<vmem>>) target(%dma_start3A_272 : memref<32768xf32, #tpu.memory_space<hbm>>) target_semaphore(%arg5 : memref<!tpu.dma_semaphore, #tpu.memory_space<semaphore_mem>>)
    %dma_start3A_273 = tpu.memref_slice %arg3[%mul3A_250] : memref<25165824xf32, #tpu.memory_space<hbm>> -> memref<32768xf32, #tpu.memory_space<hbm>>
    %dma_start3A_274 = tpu.memref_slice %arg3[%mul3A_250] : memref<25165824xf32, #tpu.memory_space<hbm>> -> memref<32768xf32, #tpu.memory_space<hbm>>
    tpu.enqueue_dma source(%arg4 : memref<32768xf32, #tpu.memory_space<vmem>>) target(%dma_start3A_274 : memref<32768xf32, #tpu.memory_space<hbm>>) target_semaphore(%arg5 : memref<!tpu.dma_semaphore, #tpu.memory_space<semaphore_mem>>)
    %dma_start3A_275 = tpu.memref_slice %arg3[%mul3A_256] : memref<25165824xf32, #tpu.memory_space<hbm>> -> memref<32768xf32, #tpu.memory_space<hbm>>
    %dma_start3A_276 = tpu.memref_slice %arg3[%mul3A_256] : memref<25165824xf32, #tpu.memory_space<hbm>> -> memref<32768xf32, #tpu.memory_space<hbm>>
    tpu.enqueue_dma source(%arg4 : memref<32768xf32, #tpu.memory_space<vmem>>) target(%dma_start3A_276 : memref<32768xf32, #tpu.memory_space<hbm>>) target_semaphore(%arg5 : memref<!tpu.dma_semaphore, #tpu.memory_space<semaphore_mem>>)
    %dma_start3A_277 = tpu.memref_slice %arg3[%mul3A_262] : memref<25165824xf32, #tpu.memory_space<hbm>> -> memref<32768xf32, #tpu.memory_space<hbm>>
    %dma_start3A_278 = tpu.memref_slice %arg3[%mul3A_262] : memref<25165824xf32, #tpu.memory_space<hbm>> -> memref<32768xf32, #tpu.memory_space<hbm>>
    tpu.enqueue_dma source(%arg4 : memref<32768xf32, #tpu.memory_space<vmem>>) target(%dma_start3A_278 : memref<32768xf32, #tpu.memory_space<hbm>>) target_semaphore(%arg5 : memref<!tpu.dma_semaphore, #tpu.memory_space<semaphore_mem>>)
    %dma_wait3A_279 = tpu.memref_slice %arg3[%mul3A_220] : memref<25165824xf32, #tpu.memory_space<hbm>> -> memref<32768xf32, #tpu.memory_space<hbm>>
    %dma_wait3A_280 = tpu.memref_slice %arg3[%mul3A_220] : memref<25165824xf32, #tpu.memory_space<hbm>> -> memref<32768xf32, #tpu.memory_space<hbm>>
    tpu.wait_dma2 semaphore(%arg5 : memref<!tpu.dma_semaphore, #tpu.memory_space<semaphore_mem>>) src(%arg4 : memref<32768xf32, #tpu.memory_space<vmem>>) dst(%dma_wait3A_280 : memref<32768xf32, #tpu.memory_space<hbm>>)
    %dma_wait3A_281 = tpu.memref_slice %arg3[%mul3A_226] : memref<25165824xf32, #tpu.memory_space<hbm>> -> memref<32768xf32, #tpu.memory_space<hbm>>
    %dma_wait3A_282 = tpu.memref_slice %arg3[%mul3A_226] : memref<25165824xf32, #tpu.memory_space<hbm>> -> memref<32768xf32, #tpu.memory_space<hbm>>
    tpu.wait_dma2 semaphore(%arg5 : memref<!tpu.dma_semaphore, #tpu.memory_space<semaphore_mem>>) src(%arg4 : memref<32768xf32, #tpu.memory_space<vmem>>) dst(%dma_wait3A_282 : memref<32768xf32, #tpu.memory_space<hbm>>)
    %dma_wait3A_283 = tpu.memref_slice %arg3[%mul3A_232] : memref<25165824xf32, #tpu.memory_space<hbm>> -> memref<32768xf32, #tpu.memory_space<hbm>>
    %dma_wait3A_284 = tpu.memref_slice %arg3[%mul3A_232] : memref<25165824xf32, #tpu.memory_space<hbm>> -> memref<32768xf32, #tpu.memory_space<hbm>>
    tpu.wait_dma2 semaphore(%arg5 : memref<!tpu.dma_semaphore, #tpu.memory_space<semaphore_mem>>) src(%arg4 : memref<32768xf32, #tpu.memory_space<vmem>>) dst(%dma_wait3A_284 : memref<32768xf32, #tpu.memory_space<hbm>>)
    %dma_wait3A_285 = tpu.memref_slice %arg3[%mul3A_238] : memref<25165824xf32, #tpu.memory_space<hbm>> -> memref<32768xf32, #tpu.memory_space<hbm>>
    %dma_wait3A_286 = tpu.memref_slice %arg3[%mul3A_238] : memref<25165824xf32, #tpu.memory_space<hbm>> -> memref<32768xf32, #tpu.memory_space<hbm>>
    tpu.wait_dma2 semaphore(%arg5 : memref<!tpu.dma_semaphore, #tpu.memory_space<semaphore_mem>>) src(%arg4 : memref<32768xf32, #tpu.memory_space<vmem>>) dst(%dma_wait3A_286 : memref<32768xf32, #tpu.memory_space<hbm>>)
    %dma_wait3A_287 = tpu.memref_slice %arg3[%mul3A_244] : memref<25165824xf32, #tpu.memory_space<hbm>> -> memref<32768xf32, #tpu.memory_space<hbm>>
    %dma_wait3A_288 = tpu.memref_slice %arg3[%mul3A_244] : memref<25165824xf32, #tpu.memory_space<hbm>> -> memref<32768xf32, #tpu.memory_space<hbm>>
    tpu.wait_dma2 semaphore(%arg5 : memref<!tpu.dma_semaphore, #tpu.memory_space<semaphore_mem>>) src(%arg4 : memref<32768xf32, #tpu.memory_space<vmem>>) dst(%dma_wait3A_288 : memref<32768xf32, #tpu.memory_space<hbm>>)
    %dma_wait3A_289 = tpu.memref_slice %arg3[%mul3A_250] : memref<25165824xf32, #tpu.memory_space<hbm>> -> memref<32768xf32, #tpu.memory_space<hbm>>
    %dma_wait3A_290 = tpu.memref_slice %arg3[%mul3A_250] : memref<25165824xf32, #tpu.memory_space<hbm>> -> memref<32768xf32, #tpu.memory_space<hbm>>
    tpu.wait_dma2 semaphore(%arg5 : memref<!tpu.dma_semaphore, #tpu.memory_space<semaphore_mem>>) src(%arg4 : memref<32768xf32, #tpu.memory_space<vmem>>) dst(%dma_wait3A_290 : memref<32768xf32, #tpu.memory_space<hbm>>)
    %dma_wait3A_291 = tpu.memref_slice %arg3[%mul3A_256] : memref<25165824xf32, #tpu.memory_space<hbm>> -> memref<32768xf32, #tpu.memory_space<hbm>>
    %dma_wait3A_292 = tpu.memref_slice %arg3[%mul3A_256] : memref<25165824xf32, #tpu.memory_space<hbm>> -> memref<32768xf32, #tpu.memory_space<hbm>>
    tpu.wait_dma2 semaphore(%arg5 : memref<!tpu.dma_semaphore, #tpu.memory_space<semaphore_mem>>) src(%arg4 : memref<32768xf32, #tpu.memory_space<vmem>>) dst(%dma_wait3A_292 : memref<32768xf32, #tpu.memory_space<hbm>>)
    %dma_wait3A_293 = tpu.memref_slice %arg3[%mul3A_262] : memref<25165824xf32, #tpu.memory_space<hbm>> -> memref<32768xf32, #tpu.memory_space<hbm>>
    %dma_wait3A_294 = tpu.memref_slice %arg3[%mul3A_262] : memref<25165824xf32, #tpu.memory_space<hbm>> -> memref<32768xf32, #tpu.memory_space<hbm>>
    tpu.wait_dma2 semaphore(%arg5 : memref<!tpu.dma_semaphore, #tpu.memory_space<semaphore_mem>>) src(%arg4 : memref<32768xf32, #tpu.memory_space<vmem>>) dst(%dma_wait3A_294 : memref<32768xf32, #tpu.memory_space<hbm>>)
    %mul3A_295 = arith.constant 3 : i32
    %mul3A_296 = arith.muli %select_n3A, %mul3A_295 : i32
    %add3A_297 = arith.constant 1 : i32
    %add3A_298 = arith.addi %mul3A_296, %add3A_297 : i32
    %mul3A_299 = arith.constant 2048 : i32
    %mul3A_300 = arith.muli %add3A_298, %mul3A_299 : i32
    %dma_start3A_301 = arith.constant 0 : i32
    %dma_start3A_302 = tpu.memref_slice %arg4[%dma_start3A_301] : memref<32768xf32, #tpu.memory_space<vmem>> -> memref<2048xf32, #tpu.memory_space<vmem>>
    %dma_start3A_303 = tpu.memref_slice %arg2[%mul3A_300] : memref<12288xf32, #tpu.memory_space<hbm>> -> memref<2048xf32, #tpu.memory_space<hbm>>
    %dma_start3A_304 = arith.constant 0 : i32
    %dma_start3A_305 = tpu.memref_slice %arg4[%dma_start3A_304] : memref<32768xf32, #tpu.memory_space<vmem>> -> memref<2048xf32, #tpu.memory_space<vmem>>
    %dma_start3A_306 = tpu.memref_slice %arg2[%mul3A_300] : memref<12288xf32, #tpu.memory_space<hbm>> -> memref<2048xf32, #tpu.memory_space<hbm>>
    tpu.enqueue_dma source(%dma_start3A_306 : memref<2048xf32, #tpu.memory_space<hbm>>) target(%dma_start3A_305 : memref<2048xf32, #tpu.memory_space<vmem>>) target_semaphore(%arg5 : memref<!tpu.dma_semaphore, #tpu.memory_space<semaphore_mem>>)
    %dma_start3A_307 = arith.constant 2048 : i32
    %dma_start3A_308 = tpu.memref_slice %arg4[%dma_start3A_307] : memref<32768xf32, #tpu.memory_space<vmem>> -> memref<2048xf32, #tpu.memory_space<vmem>>
    %dma_start3A_309 = tpu.memref_slice %arg2[%mul3A_300] : memref<12288xf32, #tpu.memory_space<hbm>> -> memref<2048xf32, #tpu.memory_space<hbm>>
    %dma_start3A_310 = arith.constant 2048 : i32
    %dma_start3A_311 = tpu.memref_slice %arg4[%dma_start3A_310] : memref<32768xf32, #tpu.memory_space<vmem>> -> memref<2048xf32, #tpu.memory_space<vmem>>
    %dma_start3A_312 = tpu.memref_slice %arg2[%mul3A_300] : memref<12288xf32, #tpu.memory_space<hbm>> -> memref<2048xf32, #tpu.memory_space<hbm>>
    tpu.enqueue_dma source(%dma_start3A_312 : memref<2048xf32, #tpu.memory_space<hbm>>) target(%dma_start3A_311 : memref<2048xf32, #tpu.memory_space<vmem>>) target_semaphore(%arg5 : memref<!tpu.dma_semaphore, #tpu.memory_space<semaphore_mem>>)
    %dma_start3A_313 = arith.constant 4096 : i32
    %dma_start3A_314 = tpu.memref_slice %arg4[%dma_start3A_313] : memref<32768xf32, #tpu.memory_space<vmem>> -> memref<2048xf32, #tpu.memory_space<vmem>>
    %dma_start3A_315 = tpu.memref_slice %arg2[%mul3A_300] : memref<12288xf32, #tpu.memory_space<hbm>> -> memref<2048xf32, #tpu.memory_space<hbm>>
    %dma_start3A_316 = arith.constant 4096 : i32
    %dma_start3A_317 = tpu.memref_slice %arg4[%dma_start3A_316] : memref<32768xf32, #tpu.memory_space<vmem>> -> memref<2048xf32, #tpu.memory_space<vmem>>
    %dma_start3A_318 = tpu.memref_slice %arg2[%mul3A_300] : memref<12288xf32, #tpu.memory_space<hbm>> -> memref<2048xf32, #tpu.memory_space<hbm>>
    tpu.enqueue_dma source(%dma_start3A_318 : memref<2048xf32, #tpu.memory_space<hbm>>) target(%dma_start3A_317 : memref<2048xf32, #tpu.memory_space<vmem>>) target_semaphore(%arg5 : memref<!tpu.dma_semaphore, #tpu.memory_space<semaphore_mem>>)
    %dma_start3A_319 = arith.constant 6144 : i32
    %dma_start3A_320 = tpu.memref_slice %arg4[%dma_start3A_319] : memref<32768xf32, #tpu.memory_space<vmem>> -> memref<2048xf32, #tpu.memory_space<vmem>>
    %dma_start3A_321 = tpu.memref_slice %arg2[%mul3A_300] : memref<12288xf32, #tpu.memory_space<hbm>> -> memref<2048xf32, #tpu.memory_space<hbm>>
    %dma_start3A_322 = arith.constant 6144 : i32
    %dma_start3A_323 = tpu.memref_slice %arg4[%dma_start3A_322] : memref<32768xf32, #tpu.memory_space<vmem>> -> memref<2048xf32, #tpu.memory_space<vmem>>
    %dma_start3A_324 = tpu.memref_slice %arg2[%mul3A_300] : memref<12288xf32, #tpu.memory_space<hbm>> -> memref<2048xf32, #tpu.memory_space<hbm>>
    tpu.enqueue_dma source(%dma_start3A_324 : memref<2048xf32, #tpu.memory_space<hbm>>) target(%dma_start3A_323 : memref<2048xf32, #tpu.memory_space<vmem>>) target_semaphore(%arg5 : memref<!tpu.dma_semaphore, #tpu.memory_space<semaphore_mem>>)
    %dma_start3A_325 = arith.constant 8192 : i32
    %dma_start3A_326 = tpu.memref_slice %arg4[%dma_start3A_325] : memref<32768xf32, #tpu.memory_space<vmem>> -> memref<2048xf32, #tpu.memory_space<vmem>>
    %dma_start3A_327 = tpu.memref_slice %arg2[%mul3A_300] : memref<12288xf32, #tpu.memory_space<hbm>> -> memref<2048xf32, #tpu.memory_space<hbm>>
    %dma_start3A_328 = arith.constant 8192 : i32
    %dma_start3A_329 = tpu.memref_slice %arg4[%dma_start3A_328] : memref<32768xf32, #tpu.memory_space<vmem>> -> memref<2048xf32, #tpu.memory_space<vmem>>
    %dma_start3A_330 = tpu.memref_slice %arg2[%mul3A_300] : memref<12288xf32, #tpu.memory_space<hbm>> -> memref<2048xf32, #tpu.memory_space<hbm>>
    tpu.enqueue_dma source(%dma_start3A_330 : memref<2048xf32, #tpu.memory_space<hbm>>) target(%dma_start3A_329 : memref<2048xf32, #tpu.memory_space<vmem>>) target_semaphore(%arg5 : memref<!tpu.dma_semaphore, #tpu.memory_space<semaphore_mem>>)
    %dma_start3A_331 = arith.constant 10240 : i32
    %dma_start3A_332 = tpu.memref_slice %arg4[%dma_start3A_331] : memref<32768xf32, #tpu.memory_space<vmem>> -> memref<2048xf32, #tpu.memory_space<vmem>>
    %dma_start3A_333 = tpu.memref_slice %arg2[%mul3A_300] : memref<12288xf32, #tpu.memory_space<hbm>> -> memref<2048xf32, #tpu.memory_space<hbm>>
    %dma_start3A_334 = arith.constant 10240 : i32
    %dma_start3A_335 = tpu.memref_slice %arg4[%dma_start3A_334] : memref<32768xf32, #tpu.memory_space<vmem>> -> memref<2048xf32, #tpu.memory_space<vmem>>
    %dma_start3A_336 = tpu.memref_slice %arg2[%mul3A_300] : memref<12288xf32, #tpu.memory_space<hbm>> -> memref<2048xf32, #tpu.memory_space<hbm>>
    tpu.enqueue_dma source(%dma_start3A_336 : memref<2048xf32, #tpu.memory_space<hbm>>) target(%dma_start3A_335 : memref<2048xf32, #tpu.memory_space<vmem>>) target_semaphore(%arg5 : memref<!tpu.dma_semaphore, #tpu.memory_space<semaphore_mem>>)
    %dma_start3A_337 = arith.constant 12288 : i32
    %dma_start3A_338 = tpu.memref_slice %arg4[%dma_start3A_337] : memref<32768xf32, #tpu.memory_space<vmem>> -> memref<2048xf32, #tpu.memory_space<vmem>>
    %dma_start3A_339 = tpu.memref_slice %arg2[%mul3A_300] : memref<12288xf32, #tpu.memory_space<hbm>> -> memref<2048xf32, #tpu.memory_space<hbm>>
    %dma_start3A_340 = arith.constant 12288 : i32
    %dma_start3A_341 = tpu.memref_slice %arg4[%dma_start3A_340] : memref<32768xf32, #tpu.memory_space<vmem>> -> memref<2048xf32, #tpu.memory_space<vmem>>
    %dma_start3A_342 = tpu.memref_slice %arg2[%mul3A_300] : memref<12288xf32, #tpu.memory_space<hbm>> -> memref<2048xf32, #tpu.memory_space<hbm>>
    tpu.enqueue_dma source(%dma_start3A_342 : memref<2048xf32, #tpu.memory_space<hbm>>) target(%dma_start3A_341 : memref<2048xf32, #tpu.memory_space<vmem>>) target_semaphore(%arg5 : memref<!tpu.dma_semaphore, #tpu.memory_space<semaphore_mem>>)
    %dma_start3A_343 = arith.constant 14336 : i32
    %dma_start3A_344 = tpu.memref_slice %arg4[%dma_start3A_343] : memref<32768xf32, #tpu.memory_space<vmem>> -> memref<2048xf32, #tpu.memory_space<vmem>>
    %dma_start3A_345 = tpu.memref_slice %arg2[%mul3A_300] : memref<12288xf32, #tpu.memory_space<hbm>> -> memref<2048xf32, #tpu.memory_space<hbm>>
    %dma_start3A_346 = arith.constant 14336 : i32
    %dma_start3A_347 = tpu.memref_slice %arg4[%dma_start3A_346] : memref<32768xf32, #tpu.memory_space<vmem>> -> memref<2048xf32, #tpu.memory_space<vmem>>
    %dma_start3A_348 = tpu.memref_slice %arg2[%mul3A_300] : memref<12288xf32, #tpu.memory_space<hbm>> -> memref<2048xf32, #tpu.memory_space<hbm>>
    tpu.enqueue_dma source(%dma_start3A_348 : memref<2048xf32, #tpu.memory_space<hbm>>) target(%dma_start3A_347 : memref<2048xf32, #tpu.memory_space<vmem>>) target_semaphore(%arg5 : memref<!tpu.dma_semaphore, #tpu.memory_space<semaphore_mem>>)
    %dma_start3A_349 = arith.constant 16384 : i32
    %dma_start3A_350 = tpu.memref_slice %arg4[%dma_start3A_349] : memref<32768xf32, #tpu.memory_space<vmem>> -> memref<2048xf32, #tpu.memory_space<vmem>>
    %dma_start3A_351 = tpu.memref_slice %arg2[%mul3A_300] : memref<12288xf32, #tpu.memory_space<hbm>> -> memref<2048xf32, #tpu.memory_space<hbm>>
    %dma_start3A_352 = arith.constant 16384 : i32
    %dma_start3A_353 = tpu.memref_slice %arg4[%dma_start3A_352] : memref<32768xf32, #tpu.memory_space<vmem>> -> memref<2048xf32, #tpu.memory_space<vmem>>
    %dma_start3A_354 = tpu.memref_slice %arg2[%mul3A_300] : memref<12288xf32, #tpu.memory_space<hbm>> -> memref<2048xf32, #tpu.memory_space<hbm>>
    tpu.enqueue_dma source(%dma_start3A_354 : memref<2048xf32, #tpu.memory_space<hbm>>) target(%dma_start3A_353 : memref<2048xf32, #tpu.memory_space<vmem>>) target_semaphore(%arg5 : memref<!tpu.dma_semaphore, #tpu.memory_space<semaphore_mem>>)
    %dma_start3A_355 = arith.constant 18432 : i32
    %dma_start3A_356 = tpu.memref_slice %arg4[%dma_start3A_355] : memref<32768xf32, #tpu.memory_space<vmem>> -> memref<2048xf32, #tpu.memory_space<vmem>>
    %dma_start3A_357 = tpu.memref_slice %arg2[%mul3A_300] : memref<12288xf32, #tpu.memory_space<hbm>> -> memref<2048xf32, #tpu.memory_space<hbm>>
    %dma_start3A_358 = arith.constant 18432 : i32
    %dma_start3A_359 = tpu.memref_slice %arg4[%dma_start3A_358] : memref<32768xf32, #tpu.memory_space<vmem>> -> memref<2048xf32, #tpu.memory_space<vmem>>
    %dma_start3A_360 = tpu.memref_slice %arg2[%mul3A_300] : memref<12288xf32, #tpu.memory_space<hbm>> -> memref<2048xf32, #tpu.memory_space<hbm>>
    tpu.enqueue_dma source(%dma_start3A_360 : memref<2048xf32, #tpu.memory_space<hbm>>) target(%dma_start3A_359 : memref<2048xf32, #tpu.memory_space<vmem>>) target_semaphore(%arg5 : memref<!tpu.dma_semaphore, #tpu.memory_space<semaphore_mem>>)
    %dma_start3A_361 = arith.constant 20480 : i32
    %dma_start3A_362 = tpu.memref_slice %arg4[%dma_start3A_361] : memref<32768xf32, #tpu.memory_space<vmem>> -> memref<2048xf32, #tpu.memory_space<vmem>>
    %dma_start3A_363 = tpu.memref_slice %arg2[%mul3A_300] : memref<12288xf32, #tpu.memory_space<hbm>> -> memref<2048xf32, #tpu.memory_space<hbm>>
    %dma_start3A_364 = arith.constant 20480 : i32
    %dma_start3A_365 = tpu.memref_slice %arg4[%dma_start3A_364] : memref<32768xf32, #tpu.memory_space<vmem>> -> memref<2048xf32, #tpu.memory_space<vmem>>
    %dma_start3A_366 = tpu.memref_slice %arg2[%mul3A_300] : memref<12288xf32, #tpu.memory_space<hbm>> -> memref<2048xf32, #tpu.memory_space<hbm>>
    tpu.enqueue_dma source(%dma_start3A_366 : memref<2048xf32, #tpu.memory_space<hbm>>) target(%dma_start3A_365 : memref<2048xf32, #tpu.memory_space<vmem>>) target_semaphore(%arg5 : memref<!tpu.dma_semaphore, #tpu.memory_space<semaphore_mem>>)
    %dma_start3A_367 = arith.constant 22528 : i32
    %dma_start3A_368 = tpu.memref_slice %arg4[%dma_start3A_367] : memref<32768xf32, #tpu.memory_space<vmem>> -> memref<2048xf32, #tpu.memory_space<vmem>>
    %dma_start3A_369 = tpu.memref_slice %arg2[%mul3A_300] : memref<12288xf32, #tpu.memory_space<hbm>> -> memref<2048xf32, #tpu.memory_space<hbm>>
    %dma_start3A_370 = arith.constant 22528 : i32
    %dma_start3A_371 = tpu.memref_slice %arg4[%dma_start3A_370] : memref<32768xf32, #tpu.memory_space<vmem>> -> memref<2048xf32, #tpu.memory_space<vmem>>
    %dma_start3A_372 = tpu.memref_slice %arg2[%mul3A_300] : memref<12288xf32, #tpu.memory_space<hbm>> -> memref<2048xf32, #tpu.memory_space<hbm>>
    tpu.enqueue_dma source(%dma_start3A_372 : memref<2048xf32, #tpu.memory_space<hbm>>) target(%dma_start3A_371 : memref<2048xf32, #tpu.memory_space<vmem>>) target_semaphore(%arg5 : memref<!tpu.dma_semaphore, #tpu.memory_space<semaphore_mem>>)
    %dma_start3A_373 = arith.constant 24576 : i32
    %dma_start3A_374 = tpu.memref_slice %arg4[%dma_start3A_373] : memref<32768xf32, #tpu.memory_space<vmem>> -> memref<2048xf32, #tpu.memory_space<vmem>>
    %dma_start3A_375 = tpu.memref_slice %arg2[%mul3A_300] : memref<12288xf32, #tpu.memory_space<hbm>> -> memref<2048xf32, #tpu.memory_space<hbm>>
    %dma_start3A_376 = arith.constant 24576 : i32
    %dma_start3A_377 = tpu.memref_slice %arg4[%dma_start3A_376] : memref<32768xf32, #tpu.memory_space<vmem>> -> memref<2048xf32, #tpu.memory_space<vmem>>
    %dma_start3A_378 = tpu.memref_slice %arg2[%mul3A_300] : memref<12288xf32, #tpu.memory_space<hbm>> -> memref<2048xf32, #tpu.memory_space<hbm>>
    tpu.enqueue_dma source(%dma_start3A_378 : memref<2048xf32, #tpu.memory_space<hbm>>) target(%dma_start3A_377 : memref<2048xf32, #tpu.memory_space<vmem>>) target_semaphore(%arg5 : memref<!tpu.dma_semaphore, #tpu.memory_space<semaphore_mem>>)
    %dma_start3A_379 = arith.constant 26624 : i32
    %dma_start3A_380 = tpu.memref_slice %arg4[%dma_start3A_379] : memref<32768xf32, #tpu.memory_space<vmem>> -> memref<2048xf32, #tpu.memory_space<vmem>>
    %dma_start3A_381 = tpu.memref_slice %arg2[%mul3A_300] : memref<12288xf32, #tpu.memory_space<hbm>> -> memref<2048xf32, #tpu.memory_space<hbm>>
    %dma_start3A_382 = arith.constant 26624 : i32
    %dma_start3A_383 = tpu.memref_slice %arg4[%dma_start3A_382] : memref<32768xf32, #tpu.memory_space<vmem>> -> memref<2048xf32, #tpu.memory_space<vmem>>
    %dma_start3A_384 = tpu.memref_slice %arg2[%mul3A_300] : memref<12288xf32, #tpu.memory_space<hbm>> -> memref<2048xf32, #tpu.memory_space<hbm>>
    tpu.enqueue_dma source(%dma_start3A_384 : memref<2048xf32, #tpu.memory_space<hbm>>) target(%dma_start3A_383 : memref<2048xf32, #tpu.memory_space<vmem>>) target_semaphore(%arg5 : memref<!tpu.dma_semaphore, #tpu.memory_space<semaphore_mem>>)
    %dma_start3A_385 = arith.constant 28672 : i32
    %dma_start3A_386 = tpu.memref_slice %arg4[%dma_start3A_385] : memref<32768xf32, #tpu.memory_space<vmem>> -> memref<2048xf32, #tpu.memory_space<vmem>>
    %dma_start3A_387 = tpu.memref_slice %arg2[%mul3A_300] : memref<12288xf32, #tpu.memory_space<hbm>> -> memref<2048xf32, #tpu.memory_space<hbm>>
    %dma_start3A_388 = arith.constant 28672 : i32
    %dma_start3A_389 = tpu.memref_slice %arg4[%dma_start3A_388] : memref<32768xf32, #tpu.memory_space<vmem>> -> memref<2048xf32, #tpu.memory_space<vmem>>
    %dma_start3A_390 = tpu.memref_slice %arg2[%mul3A_300] : memref<12288xf32, #tpu.memory_space<hbm>> -> memref<2048xf32, #tpu.memory_space<hbm>>
    tpu.enqueue_dma source(%dma_start3A_390 : memref<2048xf32, #tpu.memory_space<hbm>>) target(%dma_start3A_389 : memref<2048xf32, #tpu.memory_space<vmem>>) target_semaphore(%arg5 : memref<!tpu.dma_semaphore, #tpu.memory_space<semaphore_mem>>)
    %dma_start3A_391 = arith.constant 30720 : i32
    %dma_start3A_392 = tpu.memref_slice %arg4[%dma_start3A_391] : memref<32768xf32, #tpu.memory_space<vmem>> -> memref<2048xf32, #tpu.memory_space<vmem>>
    %dma_start3A_393 = tpu.memref_slice %arg2[%mul3A_300] : memref<12288xf32, #tpu.memory_space<hbm>> -> memref<2048xf32, #tpu.memory_space<hbm>>
    %dma_start3A_394 = arith.constant 30720 : i32
    %dma_start3A_395 = tpu.memref_slice %arg4[%dma_start3A_394] : memref<32768xf32, #tpu.memory_space<vmem>> -> memref<2048xf32, #tpu.memory_space<vmem>>
    %dma_start3A_396 = tpu.memref_slice %arg2[%mul3A_300] : memref<12288xf32, #tpu.memory_space<hbm>> -> memref<2048xf32, #tpu.memory_space<hbm>>
    tpu.enqueue_dma source(%dma_start3A_396 : memref<2048xf32, #tpu.memory_space<hbm>>) target(%dma_start3A_395 : memref<2048xf32, #tpu.memory_space<vmem>>) target_semaphore(%arg5 : memref<!tpu.dma_semaphore, #tpu.memory_space<semaphore_mem>>)
    %dma_wait3A_397 = arith.constant 0 : i32
    %dma_wait3A_398 = tpu.memref_slice %arg4[%dma_wait3A_397] : memref<32768xf32, #tpu.memory_space<vmem>> -> memref<2048xf32, #tpu.memory_space<vmem>>
    %dma_wait3A_399 = tpu.memref_slice %arg2[%mul3A_300] : memref<12288xf32, #tpu.memory_space<hbm>> -> memref<2048xf32, #tpu.memory_space<hbm>>
    %dma_wait3A_400 = arith.constant 0 : i32
    %dma_wait3A_401 = tpu.memref_slice %arg4[%dma_wait3A_400] : memref<32768xf32, #tpu.memory_space<vmem>> -> memref<2048xf32, #tpu.memory_space<vmem>>
    %dma_wait3A_402 = tpu.memref_slice %arg2[%mul3A_300] : memref<12288xf32, #tpu.memory_space<hbm>> -> memref<2048xf32, #tpu.memory_space<hbm>>
    tpu.wait_dma2 semaphore(%arg5 : memref<!tpu.dma_semaphore, #tpu.memory_space<semaphore_mem>>) src(%dma_wait3A_402 : memref<2048xf32, #tpu.memory_space<hbm>>) dst(%dma_wait3A_401 : memref<2048xf32, #tpu.memory_space<vmem>>)
    %dma_wait3A_403 = arith.constant 2048 : i32
    %dma_wait3A_404 = tpu.memref_slice %arg4[%dma_wait3A_403] : memref<32768xf32, #tpu.memory_space<vmem>> -> memref<2048xf32, #tpu.memory_space<vmem>>
    %dma_wait3A_405 = tpu.memref_slice %arg2[%mul3A_300] : memref<12288xf32, #tpu.memory_space<hbm>> -> memref<2048xf32, #tpu.memory_space<hbm>>
    %dma_wait3A_406 = arith.constant 2048 : i32
    %dma_wait3A_407 = tpu.memref_slice %arg4[%dma_wait3A_406] : memref<32768xf32, #tpu.memory_space<vmem>> -> memref<2048xf32, #tpu.memory_space<vmem>>
    %dma_wait3A_408 = tpu.memref_slice %arg2[%mul3A_300] : memref<12288xf32, #tpu.memory_space<hbm>> -> memref<2048xf32, #tpu.memory_space<hbm>>
    tpu.wait_dma2 semaphore(%arg5 : memref<!tpu.dma_semaphore, #tpu.memory_space<semaphore_mem>>) src(%dma_wait3A_408 : memref<2048xf32, #tpu.memory_space<hbm>>) dst(%dma_wait3A_407 : memref<2048xf32, #tpu.memory_space<vmem>>)
    %dma_wait3A_409 = arith.constant 4096 : i32
    %dma_wait3A_410 = tpu.memref_slice %arg4[%dma_wait3A_409] : memref<32768xf32, #tpu.memory_space<vmem>> -> memref<2048xf32, #tpu.memory_space<vmem>>
    %dma_wait3A_411 = tpu.memref_slice %arg2[%mul3A_300] : memref<12288xf32, #tpu.memory_space<hbm>> -> memref<2048xf32, #tpu.memory_space<hbm>>
    %dma_wait3A_412 = arith.constant 4096 : i32
    %dma_wait3A_413 = tpu.memref_slice %arg4[%dma_wait3A_412] : memref<32768xf32, #tpu.memory_space<vmem>> -> memref<2048xf32, #tpu.memory_space<vmem>>
    %dma_wait3A_414 = tpu.memref_slice %arg2[%mul3A_300] : memref<12288xf32, #tpu.memory_space<hbm>> -> memref<2048xf32, #tpu.memory_space<hbm>>
    tpu.wait_dma2 semaphore(%arg5 : memref<!tpu.dma_semaphore, #tpu.memory_space<semaphore_mem>>) src(%dma_wait3A_414 : memref<2048xf32, #tpu.memory_space<hbm>>) dst(%dma_wait3A_413 : memref<2048xf32, #tpu.memory_space<vmem>>)
    %dma_wait3A_415 = arith.constant 6144 : i32
    %dma_wait3A_416 = tpu.memref_slice %arg4[%dma_wait3A_415] : memref<32768xf32, #tpu.memory_space<vmem>> -> memref<2048xf32, #tpu.memory_space<vmem>>
    %dma_wait3A_417 = tpu.memref_slice %arg2[%mul3A_300] : memref<12288xf32, #tpu.memory_space<hbm>> -> memref<2048xf32, #tpu.memory_space<hbm>>
    %dma_wait3A_418 = arith.constant 6144 : i32
    %dma_wait3A_419 = tpu.memref_slice %arg4[%dma_wait3A_418] : memref<32768xf32, #tpu.memory_space<vmem>> -> memref<2048xf32, #tpu.memory_space<vmem>>
    %dma_wait3A_420 = tpu.memref_slice %arg2[%mul3A_300] : memref<12288xf32, #tpu.memory_space<hbm>> -> memref<2048xf32, #tpu.memory_space<hbm>>
    tpu.wait_dma2 semaphore(%arg5 : memref<!tpu.dma_semaphore, #tpu.memory_space<semaphore_mem>>) src(%dma_wait3A_420 : memref<2048xf32, #tpu.memory_space<hbm>>) dst(%dma_wait3A_419 : memref<2048xf32, #tpu.memory_space<vmem>>)
    %dma_wait3A_421 = arith.constant 8192 : i32
    %dma_wait3A_422 = tpu.memref_slice %arg4[%dma_wait3A_421] : memref<32768xf32, #tpu.memory_space<vmem>> -> memref<2048xf32, #tpu.memory_space<vmem>>
    %dma_wait3A_423 = tpu.memref_slice %arg2[%mul3A_300] : memref<12288xf32, #tpu.memory_space<hbm>> -> memref<2048xf32, #tpu.memory_space<hbm>>
    %dma_wait3A_424 = arith.constant 8192 : i32
    %dma_wait3A_425 = tpu.memref_slice %arg4[%dma_wait3A_424] : memref<32768xf32, #tpu.memory_space<vmem>> -> memref<2048xf32, #tpu.memory_space<vmem>>
    %dma_wait3A_426 = tpu.memref_slice %arg2[%mul3A_300] : memref<12288xf32, #tpu.memory_space<hbm>> -> memref<2048xf32, #tpu.memory_space<hbm>>
    tpu.wait_dma2 semaphore(%arg5 : memref<!tpu.dma_semaphore, #tpu.memory_space<semaphore_mem>>) src(%dma_wait3A_426 : memref<2048xf32, #tpu.memory_space<hbm>>) dst(%dma_wait3A_425 : memref<2048xf32, #tpu.memory_space<vmem>>)
    %dma_wait3A_427 = arith.constant 10240 : i32
    %dma_wait3A_428 = tpu.memref_slice %arg4[%dma_wait3A_427] : memref<32768xf32, #tpu.memory_space<vmem>> -> memref<2048xf32, #tpu.memory_space<vmem>>
    %dma_wait3A_429 = tpu.memref_slice %arg2[%mul3A_300] : memref<12288xf32, #tpu.memory_space<hbm>> -> memref<2048xf32, #tpu.memory_space<hbm>>
    %dma_wait3A_430 = arith.constant 10240 : i32
    %dma_wait3A_431 = tpu.memref_slice %arg4[%dma_wait3A_430] : memref<32768xf32, #tpu.memory_space<vmem>> -> memref<2048xf32, #tpu.memory_space<vmem>>
    %dma_wait3A_432 = tpu.memref_slice %arg2[%mul3A_300] : memref<12288xf32, #tpu.memory_space<hbm>> -> memref<2048xf32, #tpu.memory_space<hbm>>
    tpu.wait_dma2 semaphore(%arg5 : memref<!tpu.dma_semaphore, #tpu.memory_space<semaphore_mem>>) src(%dma_wait3A_432 : memref<2048xf32, #tpu.memory_space<hbm>>) dst(%dma_wait3A_431 : memref<2048xf32, #tpu.memory_space<vmem>>)
    %dma_wait3A_433 = arith.constant 12288 : i32
    %dma_wait3A_434 = tpu.memref_slice %arg4[%dma_wait3A_433] : memref<32768xf32, #tpu.memory_space<vmem>> -> memref<2048xf32, #tpu.memory_space<vmem>>
    %dma_wait3A_435 = tpu.memref_slice %arg2[%mul3A_300] : memref<12288xf32, #tpu.memory_space<hbm>> -> memref<2048xf32, #tpu.memory_space<hbm>>
    %dma_wait3A_436 = arith.constant 12288 : i32
    %dma_wait3A_437 = tpu.memref_slice %arg4[%dma_wait3A_436] : memref<32768xf32, #tpu.memory_space<vmem>> -> memref<2048xf32, #tpu.memory_space<vmem>>
    %dma_wait3A_438 = tpu.memref_slice %arg2[%mul3A_300] : memref<12288xf32, #tpu.memory_space<hbm>> -> memref<2048xf32, #tpu.memory_space<hbm>>
    tpu.wait_dma2 semaphore(%arg5 : memref<!tpu.dma_semaphore, #tpu.memory_space<semaphore_mem>>) src(%dma_wait3A_438 : memref<2048xf32, #tpu.memory_space<hbm>>) dst(%dma_wait3A_437 : memref<2048xf32, #tpu.memory_space<vmem>>)
    %dma_wait3A_439 = arith.constant 14336 : i32
    %dma_wait3A_440 = tpu.memref_slice %arg4[%dma_wait3A_439] : memref<32768xf32, #tpu.memory_space<vmem>> -> memref<2048xf32, #tpu.memory_space<vmem>>
    %dma_wait3A_441 = tpu.memref_slice %arg2[%mul3A_300] : memref<12288xf32, #tpu.memory_space<hbm>> -> memref<2048xf32, #tpu.memory_space<hbm>>
    %dma_wait3A_442 = arith.constant 14336 : i32
    %dma_wait3A_443 = tpu.memref_slice %arg4[%dma_wait3A_442] : memref<32768xf32, #tpu.memory_space<vmem>> -> memref<2048xf32, #tpu.memory_space<vmem>>
    %dma_wait3A_444 = tpu.memref_slice %arg2[%mul3A_300] : memref<12288xf32, #tpu.memory_space<hbm>> -> memref<2048xf32, #tpu.memory_space<hbm>>
    tpu.wait_dma2 semaphore(%arg5 : memref<!tpu.dma_semaphore, #tpu.memory_space<semaphore_mem>>) src(%dma_wait3A_444 : memref<2048xf32, #tpu.memory_space<hbm>>) dst(%dma_wait3A_443 : memref<2048xf32, #tpu.memory_space<vmem>>)
    %dma_wait3A_445 = arith.constant 16384 : i32
    %dma_wait3A_446 = tpu.memref_slice %arg4[%dma_wait3A_445] : memref<32768xf32, #tpu.memory_space<vmem>> -> memref<2048xf32, #tpu.memory_space<vmem>>
    %dma_wait3A_447 = tpu.memref_slice %arg2[%mul3A_300] : memref<12288xf32, #tpu.memory_space<hbm>> -> memref<2048xf32, #tpu.memory_space<hbm>>
    %dma_wait3A_448 = arith.constant 16384 : i32
    %dma_wait3A_449 = tpu.memref_slice %arg4[%dma_wait3A_448] : memref<32768xf32, #tpu.memory_space<vmem>> -> memref<2048xf32, #tpu.memory_space<vmem>>
    %dma_wait3A_450 = tpu.memref_slice %arg2[%mul3A_300] : memref<12288xf32, #tpu.memory_space<hbm>> -> memref<2048xf32, #tpu.memory_space<hbm>>
    tpu.wait_dma2 semaphore(%arg5 : memref<!tpu.dma_semaphore, #tpu.memory_space<semaphore_mem>>) src(%dma_wait3A_450 : memref<2048xf32, #tpu.memory_space<hbm>>) dst(%dma_wait3A_449 : memref<2048xf32, #tpu.memory_space<vmem>>)
    %dma_wait3A_451 = arith.constant 18432 : i32
    %dma_wait3A_452 = tpu.memref_slice %arg4[%dma_wait3A_451] : memref<32768xf32, #tpu.memory_space<vmem>> -> memref<2048xf32, #tpu.memory_space<vmem>>
    %dma_wait3A_453 = tpu.memref_slice %arg2[%mul3A_300] : memref<12288xf32, #tpu.memory_space<hbm>> -> memref<2048xf32, #tpu.memory_space<hbm>>
    %dma_wait3A_454 = arith.constant 18432 : i32
    %dma_wait3A_455 = tpu.memref_slice %arg4[%dma_wait3A_454] : memref<32768xf32, #tpu.memory_space<vmem>> -> memref<2048xf32, #tpu.memory_space<vmem>>
    %dma_wait3A_456 = tpu.memref_slice %arg2[%mul3A_300] : memref<12288xf32, #tpu.memory_space<hbm>> -> memref<2048xf32, #tpu.memory_space<hbm>>
    tpu.wait_dma2 semaphore(%arg5 : memref<!tpu.dma_semaphore, #tpu.memory_space<semaphore_mem>>) src(%dma_wait3A_456 : memref<2048xf32, #tpu.memory_space<hbm>>) dst(%dma_wait3A_455 : memref<2048xf32, #tpu.memory_space<vmem>>)
    %dma_wait3A_457 = arith.constant 20480 : i32
    %dma_wait3A_458 = tpu.memref_slice %arg4[%dma_wait3A_457] : memref<32768xf32, #tpu.memory_space<vmem>> -> memref<2048xf32, #tpu.memory_space<vmem>>
    %dma_wait3A_459 = tpu.memref_slice %arg2[%mul3A_300] : memref<12288xf32, #tpu.memory_space<hbm>> -> memref<2048xf32, #tpu.memory_space<hbm>>
    %dma_wait3A_460 = arith.constant 20480 : i32
    %dma_wait3A_461 = tpu.memref_slice %arg4[%dma_wait3A_460] : memref<32768xf32, #tpu.memory_space<vmem>> -> memref<2048xf32, #tpu.memory_space<vmem>>
    %dma_wait3A_462 = tpu.memref_slice %arg2[%mul3A_300] : memref<12288xf32, #tpu.memory_space<hbm>> -> memref<2048xf32, #tpu.memory_space<hbm>>
    tpu.wait_dma2 semaphore(%arg5 : memref<!tpu.dma_semaphore, #tpu.memory_space<semaphore_mem>>) src(%dma_wait3A_462 : memref<2048xf32, #tpu.memory_space<hbm>>) dst(%dma_wait3A_461 : memref<2048xf32, #tpu.memory_space<vmem>>)
    %dma_wait3A_463 = arith.constant 22528 : i32
    %dma_wait3A_464 = tpu.memref_slice %arg4[%dma_wait3A_463] : memref<32768xf32, #tpu.memory_space<vmem>> -> memref<2048xf32, #tpu.memory_space<vmem>>
    %dma_wait3A_465 = tpu.memref_slice %arg2[%mul3A_300] : memref<12288xf32, #tpu.memory_space<hbm>> -> memref<2048xf32, #tpu.memory_space<hbm>>
    %dma_wait3A_466 = arith.constant 22528 : i32
    %dma_wait3A_467 = tpu.memref_slice %arg4[%dma_wait3A_466] : memref<32768xf32, #tpu.memory_space<vmem>> -> memref<2048xf32, #tpu.memory_space<vmem>>
    %dma_wait3A_468 = tpu.memref_slice %arg2[%mul3A_300] : memref<12288xf32, #tpu.memory_space<hbm>> -> memref<2048xf32, #tpu.memory_space<hbm>>
    tpu.wait_dma2 semaphore(%arg5 : memref<!tpu.dma_semaphore, #tpu.memory_space<semaphore_mem>>) src(%dma_wait3A_468 : memref<2048xf32, #tpu.memory_space<hbm>>) dst(%dma_wait3A_467 : memref<2048xf32, #tpu.memory_space<vmem>>)
    %dma_wait3A_469 = arith.constant 24576 : i32
    %dma_wait3A_470 = tpu.memref_slice %arg4[%dma_wait3A_469] : memref<32768xf32, #tpu.memory_space<vmem>> -> memref<2048xf32, #tpu.memory_space<vmem>>
    %dma_wait3A_471 = tpu.memref_slice %arg2[%mul3A_300] : memref<12288xf32, #tpu.memory_space<hbm>> -> memref<2048xf32, #tpu.memory_space<hbm>>
    %dma_wait3A_472 = arith.constant 24576 : i32
    %dma_wait3A_473 = tpu.memref_slice %arg4[%dma_wait3A_472] : memref<32768xf32, #tpu.memory_space<vmem>> -> memref<2048xf32, #tpu.memory_space<vmem>>
    %dma_wait3A_474 = tpu.memref_slice %arg2[%mul3A_300] : memref<12288xf32, #tpu.memory_space<hbm>> -> memref<2048xf32, #tpu.memory_space<hbm>>
    tpu.wait_dma2 semaphore(%arg5 : memref<!tpu.dma_semaphore, #tpu.memory_space<semaphore_mem>>) src(%dma_wait3A_474 : memref<2048xf32, #tpu.memory_space<hbm>>) dst(%dma_wait3A_473 : memref<2048xf32, #tpu.memory_space<vmem>>)
    %dma_wait3A_475 = arith.constant 26624 : i32
    %dma_wait3A_476 = tpu.memref_slice %arg4[%dma_wait3A_475] : memref<32768xf32, #tpu.memory_space<vmem>> -> memref<2048xf32, #tpu.memory_space<vmem>>
    %dma_wait3A_477 = tpu.memref_slice %arg2[%mul3A_300] : memref<12288xf32, #tpu.memory_space<hbm>> -> memref<2048xf32, #tpu.memory_space<hbm>>
    %dma_wait3A_478 = arith.constant 26624 : i32
    %dma_wait3A_479 = tpu.memref_slice %arg4[%dma_wait3A_478] : memref<32768xf32, #tpu.memory_space<vmem>> -> memref<2048xf32, #tpu.memory_space<vmem>>
    %dma_wait3A_480 = tpu.memref_slice %arg2[%mul3A_300] : memref<12288xf32, #tpu.memory_space<hbm>> -> memref<2048xf32, #tpu.memory_space<hbm>>
    tpu.wait_dma2 semaphore(%arg5 : memref<!tpu.dma_semaphore, #tpu.memory_space<semaphore_mem>>) src(%dma_wait3A_480 : memref<2048xf32, #tpu.memory_space<hbm>>) dst(%dma_wait3A_479 : memref<2048xf32, #tpu.memory_space<vmem>>)
    %dma_wait3A_481 = arith.constant 28672 : i32
    %dma_wait3A_482 = tpu.memref_slice %arg4[%dma_wait3A_481] : memref<32768xf32, #tpu.memory_space<vmem>> -> memref<2048xf32, #tpu.memory_space<vmem>>
    %dma_wait3A_483 = tpu.memref_slice %arg2[%mul3A_300] : memref<12288xf32, #tpu.memory_space<hbm>> -> memref<2048xf32, #tpu.memory_space<hbm>>
    %dma_wait3A_484 = arith.constant 28672 : i32
    %dma_wait3A_485 = tpu.memref_slice %arg4[%dma_wait3A_484] : memref<32768xf32, #tpu.memory_space<vmem>> -> memref<2048xf32, #tpu.memory_space<vmem>>
    %dma_wait3A_486 = tpu.memref_slice %arg2[%mul3A_300] : memref<12288xf32, #tpu.memory_space<hbm>> -> memref<2048xf32, #tpu.memory_space<hbm>>
    tpu.wait_dma2 semaphore(%arg5 : memref<!tpu.dma_semaphore, #tpu.memory_space<semaphore_mem>>) src(%dma_wait3A_486 : memref<2048xf32, #tpu.memory_space<hbm>>) dst(%dma_wait3A_485 : memref<2048xf32, #tpu.memory_space<vmem>>)
    %dma_wait3A_487 = arith.constant 30720 : i32
    %dma_wait3A_488 = tpu.memref_slice %arg4[%dma_wait3A_487] : memref<32768xf32, #tpu.memory_space<vmem>> -> memref<2048xf32, #tpu.memory_space<vmem>>
    %dma_wait3A_489 = tpu.memref_slice %arg2[%mul3A_300] : memref<12288xf32, #tpu.memory_space<hbm>> -> memref<2048xf32, #tpu.memory_space<hbm>>
    %dma_wait3A_490 = arith.constant 30720 : i32
    %dma_wait3A_491 = tpu.memref_slice %arg4[%dma_wait3A_490] : memref<32768xf32, #tpu.memory_space<vmem>> -> memref<2048xf32, #tpu.memory_space<vmem>>
    %dma_wait3A_492 = tpu.memref_slice %arg2[%mul3A_300] : memref<12288xf32, #tpu.memory_space<hbm>> -> memref<2048xf32, #tpu.memory_space<hbm>>
    tpu.wait_dma2 semaphore(%arg5 : memref<!tpu.dma_semaphore, #tpu.memory_space<semaphore_mem>>) src(%dma_wait3A_492 : memref<2048xf32, #tpu.memory_space<hbm>>) dst(%dma_wait3A_491 : memref<2048xf32, #tpu.memory_space<vmem>>)
    %add3A_493 = arith.constant 4096 : i32
    %add3A_494 = arith.addi %add3A_493, %mul3A_18 : i32
    %add3A_495 = arith.constant 0 : i32
    %add3A_496 = arith.addi %add3A_494, %add3A_495 : i32
    %mul3A_497 = arith.constant 2048 : i32
    %mul3A_498 = arith.muli %add3A_496, %mul3A_497 : i32
    %add3A_499 = arith.constant 4096 : i32
    %add3A_500 = arith.addi %add3A_499, %mul3A_18 : i32
    %add3A_501 = arith.constant 16 : i32
    %add3A_502 = arith.addi %add3A_500, %add3A_501 : i32
    %mul3A_503 = arith.constant 2048 : i32
    %mul3A_504 = arith.muli %add3A_502, %mul3A_503 : i32
    %add3A_505 = arith.constant 4096 : i32
    %add3A_506 = arith.addi %add3A_505, %mul3A_18 : i32
    %add3A_507 = arith.constant 32 : i32
    %add3A_508 = arith.addi %add3A_506, %add3A_507 : i32
    %mul3A_509 = arith.constant 2048 : i32
    %mul3A_510 = arith.muli %add3A_508, %mul3A_509 : i32
    %add3A_511 = arith.constant 4096 : i32
    %add3A_512 = arith.addi %add3A_511, %mul3A_18 : i32
    %add3A_513 = arith.constant 48 : i32
    %add3A_514 = arith.addi %add3A_512, %add3A_513 : i32
    %mul3A_515 = arith.constant 2048 : i32
    %mul3A_516 = arith.muli %add3A_514, %mul3A_515 : i32
    %add3A_517 = arith.constant 4096 : i32
    %add3A_518 = arith.addi %add3A_517, %mul3A_18 : i32
    %add3A_519 = arith.constant 64 : i32
    %add3A_520 = arith.addi %add3A_518, %add3A_519 : i32
    %mul3A_521 = arith.constant 2048 : i32
    %mul3A_522 = arith.muli %add3A_520, %mul3A_521 : i32
    %add3A_523 = arith.constant 4096 : i32
    %add3A_524 = arith.addi %add3A_523, %mul3A_18 : i32
    %add3A_525 = arith.constant 80 : i32
    %add3A_526 = arith.addi %add3A_524, %add3A_525 : i32
    %mul3A_527 = arith.constant 2048 : i32
    %mul3A_528 = arith.muli %add3A_526, %mul3A_527 : i32
    %add3A_529 = arith.constant 4096 : i32
    %add3A_530 = arith.addi %add3A_529, %mul3A_18 : i32
    %add3A_531 = arith.constant 96 : i32
    %add3A_532 = arith.addi %add3A_530, %add3A_531 : i32
    %mul3A_533 = arith.constant 2048 : i32
    %mul3A_534 = arith.muli %add3A_532, %mul3A_533 : i32
    %add3A_535 = arith.constant 4096 : i32
    %add3A_536 = arith.addi %add3A_535, %mul3A_18 : i32
    %add3A_537 = arith.constant 112 : i32
    %add3A_538 = arith.addi %add3A_536, %add3A_537 : i32
    %mul3A_539 = arith.constant 2048 : i32
    %mul3A_540 = arith.muli %add3A_538, %mul3A_539 : i32
    %dma_start3A_541 = tpu.memref_slice %arg3[%mul3A_498] : memref<25165824xf32, #tpu.memory_space<hbm>> -> memref<32768xf32, #tpu.memory_space<hbm>>
    %dma_start3A_542 = tpu.memref_slice %arg3[%mul3A_498] : memref<25165824xf32, #tpu.memory_space<hbm>> -> memref<32768xf32, #tpu.memory_space<hbm>>
    tpu.enqueue_dma source(%arg4 : memref<32768xf32, #tpu.memory_space<vmem>>) target(%dma_start3A_542 : memref<32768xf32, #tpu.memory_space<hbm>>) target_semaphore(%arg5 : memref<!tpu.dma_semaphore, #tpu.memory_space<semaphore_mem>>)
    %dma_start3A_543 = tpu.memref_slice %arg3[%mul3A_504] : memref<25165824xf32, #tpu.memory_space<hbm>> -> memref<32768xf32, #tpu.memory_space<hbm>>
    %dma_start3A_544 = tpu.memref_slice %arg3[%mul3A_504] : memref<25165824xf32, #tpu.memory_space<hbm>> -> memref<32768xf32, #tpu.memory_space<hbm>>
    tpu.enqueue_dma source(%arg4 : memref<32768xf32, #tpu.memory_space<vmem>>) target(%dma_start3A_544 : memref<32768xf32, #tpu.memory_space<hbm>>) target_semaphore(%arg5 : memref<!tpu.dma_semaphore, #tpu.memory_space<semaphore_mem>>)
    %dma_start3A_545 = tpu.memref_slice %arg3[%mul3A_510] : memref<25165824xf32, #tpu.memory_space<hbm>> -> memref<32768xf32, #tpu.memory_space<hbm>>
    %dma_start3A_546 = tpu.memref_slice %arg3[%mul3A_510] : memref<25165824xf32, #tpu.memory_space<hbm>> -> memref<32768xf32, #tpu.memory_space<hbm>>
    tpu.enqueue_dma source(%arg4 : memref<32768xf32, #tpu.memory_space<vmem>>) target(%dma_start3A_546 : memref<32768xf32, #tpu.memory_space<hbm>>) target_semaphore(%arg5 : memref<!tpu.dma_semaphore, #tpu.memory_space<semaphore_mem>>)
    %dma_start3A_547 = tpu.memref_slice %arg3[%mul3A_516] : memref<25165824xf32, #tpu.memory_space<hbm>> -> memref<32768xf32, #tpu.memory_space<hbm>>
    %dma_start3A_548 = tpu.memref_slice %arg3[%mul3A_516] : memref<25165824xf32, #tpu.memory_space<hbm>> -> memref<32768xf32, #tpu.memory_space<hbm>>
    tpu.enqueue_dma source(%arg4 : memref<32768xf32, #tpu.memory_space<vmem>>) target(%dma_start3A_548 : memref<32768xf32, #tpu.memory_space<hbm>>) target_semaphore(%arg5 : memref<!tpu.dma_semaphore, #tpu.memory_space<semaphore_mem>>)
    %dma_start3A_549 = tpu.memref_slice %arg3[%mul3A_522] : memref<25165824xf32, #tpu.memory_space<hbm>> -> memref<32768xf32, #tpu.memory_space<hbm>>
    %dma_start3A_550 = tpu.memref_slice %arg3[%mul3A_522] : memref<25165824xf32, #tpu.memory_space<hbm>> -> memref<32768xf32, #tpu.memory_space<hbm>>
    tpu.enqueue_dma source(%arg4 : memref<32768xf32, #tpu.memory_space<vmem>>) target(%dma_start3A_550 : memref<32768xf32, #tpu.memory_space<hbm>>) target_semaphore(%arg5 : memref<!tpu.dma_semaphore, #tpu.memory_space<semaphore_mem>>)
    %dma_start3A_551 = tpu.memref_slice %arg3[%mul3A_528] : memref<25165824xf32, #tpu.memory_space<hbm>> -> memref<32768xf32, #tpu.memory_space<hbm>>
    %dma_start3A_552 = tpu.memref_slice %arg3[%mul3A_528] : memref<25165824xf32, #tpu.memory_space<hbm>> -> memref<32768xf32, #tpu.memory_space<hbm>>
    tpu.enqueue_dma source(%arg4 : memref<32768xf32, #tpu.memory_space<vmem>>) target(%dma_start3A_552 : memref<32768xf32, #tpu.memory_space<hbm>>) target_semaphore(%arg5 : memref<!tpu.dma_semaphore, #tpu.memory_space<semaphore_mem>>)
    %dma_start3A_553 = tpu.memref_slice %arg3[%mul3A_534] : memref<25165824xf32, #tpu.memory_space<hbm>> -> memref<32768xf32, #tpu.memory_space<hbm>>
    %dma_start3A_554 = tpu.memref_slice %arg3[%mul3A_534] : memref<25165824xf32, #tpu.memory_space<hbm>> -> memref<32768xf32, #tpu.memory_space<hbm>>
    tpu.enqueue_dma source(%arg4 : memref<32768xf32, #tpu.memory_space<vmem>>) target(%dma_start3A_554 : memref<32768xf32, #tpu.memory_space<hbm>>) target_semaphore(%arg5 : memref<!tpu.dma_semaphore, #tpu.memory_space<semaphore_mem>>)
    %dma_start3A_555 = tpu.memref_slice %arg3[%mul3A_540] : memref<25165824xf32, #tpu.memory_space<hbm>> -> memref<32768xf32, #tpu.memory_space<hbm>>
    %dma_start3A_556 = tpu.memref_slice %arg3[%mul3A_540] : memref<25165824xf32, #tpu.memory_space<hbm>> -> memref<32768xf32, #tpu.memory_space<hbm>>
    tpu.enqueue_dma source(%arg4 : memref<32768xf32, #tpu.memory_space<vmem>>) target(%dma_start3A_556 : memref<32768xf32, #tpu.memory_space<hbm>>) target_semaphore(%arg5 : memref<!tpu.dma_semaphore, #tpu.memory_space<semaphore_mem>>)
    %dma_wait3A_557 = tpu.memref_slice %arg3[%mul3A_498] : memref<25165824xf32, #tpu.memory_space<hbm>> -> memref<32768xf32, #tpu.memory_space<hbm>>
    %dma_wait3A_558 = tpu.memref_slice %arg3[%mul3A_498] : memref<25165824xf32, #tpu.memory_space<hbm>> -> memref<32768xf32, #tpu.memory_space<hbm>>
    tpu.wait_dma2 semaphore(%arg5 : memref<!tpu.dma_semaphore, #tpu.memory_space<semaphore_mem>>) src(%arg4 : memref<32768xf32, #tpu.memory_space<vmem>>) dst(%dma_wait3A_558 : memref<32768xf32, #tpu.memory_space<hbm>>)
    %dma_wait3A_559 = tpu.memref_slice %arg3[%mul3A_504] : memref<25165824xf32, #tpu.memory_space<hbm>> -> memref<32768xf32, #tpu.memory_space<hbm>>
    %dma_wait3A_560 = tpu.memref_slice %arg3[%mul3A_504] : memref<25165824xf32, #tpu.memory_space<hbm>> -> memref<32768xf32, #tpu.memory_space<hbm>>
    tpu.wait_dma2 semaphore(%arg5 : memref<!tpu.dma_semaphore, #tpu.memory_space<semaphore_mem>>) src(%arg4 : memref<32768xf32, #tpu.memory_space<vmem>>) dst(%dma_wait3A_560 : memref<32768xf32, #tpu.memory_space<hbm>>)
    %dma_wait3A_561 = tpu.memref_slice %arg3[%mul3A_510] : memref<25165824xf32, #tpu.memory_space<hbm>> -> memref<32768xf32, #tpu.memory_space<hbm>>
    %dma_wait3A_562 = tpu.memref_slice %arg3[%mul3A_510] : memref<25165824xf32, #tpu.memory_space<hbm>> -> memref<32768xf32, #tpu.memory_space<hbm>>
    tpu.wait_dma2 semaphore(%arg5 : memref<!tpu.dma_semaphore, #tpu.memory_space<semaphore_mem>>) src(%arg4 : memref<32768xf32, #tpu.memory_space<vmem>>) dst(%dma_wait3A_562 : memref<32768xf32, #tpu.memory_space<hbm>>)
    %dma_wait3A_563 = tpu.memref_slice %arg3[%mul3A_516] : memref<25165824xf32, #tpu.memory_space<hbm>> -> memref<32768xf32, #tpu.memory_space<hbm>>
    %dma_wait3A_564 = tpu.memref_slice %arg3[%mul3A_516] : memref<25165824xf32, #tpu.memory_space<hbm>> -> memref<32768xf32, #tpu.memory_space<hbm>>
    tpu.wait_dma2 semaphore(%arg5 : memref<!tpu.dma_semaphore, #tpu.memory_space<semaphore_mem>>) src(%arg4 : memref<32768xf32, #tpu.memory_space<vmem>>) dst(%dma_wait3A_564 : memref<32768xf32, #tpu.memory_space<hbm>>)
    %dma_wait3A_565 = tpu.memref_slice %arg3[%mul3A_522] : memref<25165824xf32, #tpu.memory_space<hbm>> -> memref<32768xf32, #tpu.memory_space<hbm>>
    %dma_wait3A_566 = tpu.memref_slice %arg3[%mul3A_522] : memref<25165824xf32, #tpu.memory_space<hbm>> -> memref<32768xf32, #tpu.memory_space<hbm>>
    tpu.wait_dma2 semaphore(%arg5 : memref<!tpu.dma_semaphore, #tpu.memory_space<semaphore_mem>>) src(%arg4 : memref<32768xf32, #tpu.memory_space<vmem>>) dst(%dma_wait3A_566 : memref<32768xf32, #tpu.memory_space<hbm>>)
    %dma_wait3A_567 = tpu.memref_slice %arg3[%mul3A_528] : memref<25165824xf32, #tpu.memory_space<hbm>> -> memref<32768xf32, #tpu.memory_space<hbm>>
    %dma_wait3A_568 = tpu.memref_slice %arg3[%mul3A_528] : memref<25165824xf32, #tpu.memory_space<hbm>> -> memref<32768xf32, #tpu.memory_space<hbm>>
    tpu.wait_dma2 semaphore(%arg5 : memref<!tpu.dma_semaphore, #tpu.memory_space<semaphore_mem>>) src(%arg4 : memref<32768xf32, #tpu.memory_space<vmem>>) dst(%dma_wait3A_568 : memref<32768xf32, #tpu.memory_space<hbm>>)
    %dma_wait3A_569 = tpu.memref_slice %arg3[%mul3A_534] : memref<25165824xf32, #tpu.memory_space<hbm>> -> memref<32768xf32, #tpu.memory_space<hbm>>
    %dma_wait3A_570 = tpu.memref_slice %arg3[%mul3A_534] : memref<25165824xf32, #tpu.memory_space<hbm>> -> memref<32768xf32, #tpu.memory_space<hbm>>
    tpu.wait_dma2 semaphore(%arg5 : memref<!tpu.dma_semaphore, #tpu.memory_space<semaphore_mem>>) src(%arg4 : memref<32768xf32, #tpu.memory_space<vmem>>) dst(%dma_wait3A_570 : memref<32768xf32, #tpu.memory_space<hbm>>)
    %dma_wait3A_571 = tpu.memref_slice %arg3[%mul3A_540] : memref<25165824xf32, #tpu.memory_space<hbm>> -> memref<32768xf32, #tpu.memory_space<hbm>>
    %dma_wait3A_572 = tpu.memref_slice %arg3[%mul3A_540] : memref<25165824xf32, #tpu.memory_space<hbm>> -> memref<32768xf32, #tpu.memory_space<hbm>>
    tpu.wait_dma2 semaphore(%arg5 : memref<!tpu.dma_semaphore, #tpu.memory_space<semaphore_mem>>) src(%arg4 : memref<32768xf32, #tpu.memory_space<vmem>>) dst(%dma_wait3A_572 : memref<32768xf32, #tpu.memory_space<hbm>>)
    %mul3A_573 = arith.constant 3 : i32
    %mul3A_574 = arith.muli %select_n3A, %mul3A_573 : i32
    %add3A_575 = arith.constant 2 : i32
    %add3A_576 = arith.addi %mul3A_574, %add3A_575 : i32
    %mul3A_577 = arith.constant 2048 : i32
    %mul3A_578 = arith.muli %add3A_576, %mul3A_577 : i32
    %dma_start3A_579 = arith.constant 0 : i32
    %dma_start3A_580 = tpu.memref_slice %arg4[%dma_start3A_579] : memref<32768xf32, #tpu.memory_space<vmem>> -> memref<2048xf32, #tpu.memory_space<vmem>>
    %dma_start3A_581 = tpu.memref_slice %arg2[%mul3A_578] : memref<12288xf32, #tpu.memory_space<hbm>> -> memref<2048xf32, #tpu.memory_space<hbm>>
    %dma_start3A_582 = arith.constant 0 : i32
    %dma_start3A_583 = tpu.memref_slice %arg4[%dma_start3A_582] : memref<32768xf32, #tpu.memory_space<vmem>> -> memref<2048xf32, #tpu.memory_space<vmem>>
    %dma_start3A_584 = tpu.memref_slice %arg2[%mul3A_578] : memref<12288xf32, #tpu.memory_space<hbm>> -> memref<2048xf32, #tpu.memory_space<hbm>>
    tpu.enqueue_dma source(%dma_start3A_584 : memref<2048xf32, #tpu.memory_space<hbm>>) target(%dma_start3A_583 : memref<2048xf32, #tpu.memory_space<vmem>>) target_semaphore(%arg5 : memref<!tpu.dma_semaphore, #tpu.memory_space<semaphore_mem>>)
    %dma_start3A_585 = arith.constant 2048 : i32
    %dma_start3A_586 = tpu.memref_slice %arg4[%dma_start3A_585] : memref<32768xf32, #tpu.memory_space<vmem>> -> memref<2048xf32, #tpu.memory_space<vmem>>
    %dma_start3A_587 = tpu.memref_slice %arg2[%mul3A_578] : memref<12288xf32, #tpu.memory_space<hbm>> -> memref<2048xf32, #tpu.memory_space<hbm>>
    %dma_start3A_588 = arith.constant 2048 : i32
    %dma_start3A_589 = tpu.memref_slice %arg4[%dma_start3A_588] : memref<32768xf32, #tpu.memory_space<vmem>> -> memref<2048xf32, #tpu.memory_space<vmem>>
    %dma_start3A_590 = tpu.memref_slice %arg2[%mul3A_578] : memref<12288xf32, #tpu.memory_space<hbm>> -> memref<2048xf32, #tpu.memory_space<hbm>>
    tpu.enqueue_dma source(%dma_start3A_590 : memref<2048xf32, #tpu.memory_space<hbm>>) target(%dma_start3A_589 : memref<2048xf32, #tpu.memory_space<vmem>>) target_semaphore(%arg5 : memref<!tpu.dma_semaphore, #tpu.memory_space<semaphore_mem>>)
    %dma_start3A_591 = arith.constant 4096 : i32
    %dma_start3A_592 = tpu.memref_slice %arg4[%dma_start3A_591] : memref<32768xf32, #tpu.memory_space<vmem>> -> memref<2048xf32, #tpu.memory_space<vmem>>
    %dma_start3A_593 = tpu.memref_slice %arg2[%mul3A_578] : memref<12288xf32, #tpu.memory_space<hbm>> -> memref<2048xf32, #tpu.memory_space<hbm>>
    %dma_start3A_594 = arith.constant 4096 : i32
    %dma_start3A_595 = tpu.memref_slice %arg4[%dma_start3A_594] : memref<32768xf32, #tpu.memory_space<vmem>> -> memref<2048xf32, #tpu.memory_space<vmem>>
    %dma_start3A_596 = tpu.memref_slice %arg2[%mul3A_578] : memref<12288xf32, #tpu.memory_space<hbm>> -> memref<2048xf32, #tpu.memory_space<hbm>>
    tpu.enqueue_dma source(%dma_start3A_596 : memref<2048xf32, #tpu.memory_space<hbm>>) target(%dma_start3A_595 : memref<2048xf32, #tpu.memory_space<vmem>>) target_semaphore(%arg5 : memref<!tpu.dma_semaphore, #tpu.memory_space<semaphore_mem>>)
    %dma_start3A_597 = arith.constant 6144 : i32
    %dma_start3A_598 = tpu.memref_slice %arg4[%dma_start3A_597] : memref<32768xf32, #tpu.memory_space<vmem>> -> memref<2048xf32, #tpu.memory_space<vmem>>
    %dma_start3A_599 = tpu.memref_slice %arg2[%mul3A_578] : memref<12288xf32, #tpu.memory_space<hbm>> -> memref<2048xf32, #tpu.memory_space<hbm>>
    %dma_start3A_600 = arith.constant 6144 : i32
    %dma_start3A_601 = tpu.memref_slice %arg4[%dma_start3A_600] : memref<32768xf32, #tpu.memory_space<vmem>> -> memref<2048xf32, #tpu.memory_space<vmem>>
    %dma_start3A_602 = tpu.memref_slice %arg2[%mul3A_578] : memref<12288xf32, #tpu.memory_space<hbm>> -> memref<2048xf32, #tpu.memory_space<hbm>>
    tpu.enqueue_dma source(%dma_start3A_602 : memref<2048xf32, #tpu.memory_space<hbm>>) target(%dma_start3A_601 : memref<2048xf32, #tpu.memory_space<vmem>>) target_semaphore(%arg5 : memref<!tpu.dma_semaphore, #tpu.memory_space<semaphore_mem>>)
    %dma_start3A_603 = arith.constant 8192 : i32
    %dma_start3A_604 = tpu.memref_slice %arg4[%dma_start3A_603] : memref<32768xf32, #tpu.memory_space<vmem>> -> memref<2048xf32, #tpu.memory_space<vmem>>
    %dma_start3A_605 = tpu.memref_slice %arg2[%mul3A_578] : memref<12288xf32, #tpu.memory_space<hbm>> -> memref<2048xf32, #tpu.memory_space<hbm>>
    %dma_start3A_606 = arith.constant 8192 : i32
    %dma_start3A_607 = tpu.memref_slice %arg4[%dma_start3A_606] : memref<32768xf32, #tpu.memory_space<vmem>> -> memref<2048xf32, #tpu.memory_space<vmem>>
    %dma_start3A_608 = tpu.memref_slice %arg2[%mul3A_578] : memref<12288xf32, #tpu.memory_space<hbm>> -> memref<2048xf32, #tpu.memory_space<hbm>>
    tpu.enqueue_dma source(%dma_start3A_608 : memref<2048xf32, #tpu.memory_space<hbm>>) target(%dma_start3A_607 : memref<2048xf32, #tpu.memory_space<vmem>>) target_semaphore(%arg5 : memref<!tpu.dma_semaphore, #tpu.memory_space<semaphore_mem>>)
    %dma_start3A_609 = arith.constant 10240 : i32
    %dma_start3A_610 = tpu.memref_slice %arg4[%dma_start3A_609] : memref<32768xf32, #tpu.memory_space<vmem>> -> memref<2048xf32, #tpu.memory_space<vmem>>
    %dma_start3A_611 = tpu.memref_slice %arg2[%mul3A_578] : memref<12288xf32, #tpu.memory_space<hbm>> -> memref<2048xf32, #tpu.memory_space<hbm>>
    %dma_start3A_612 = arith.constant 10240 : i32
    %dma_start3A_613 = tpu.memref_slice %arg4[%dma_start3A_612] : memref<32768xf32, #tpu.memory_space<vmem>> -> memref<2048xf32, #tpu.memory_space<vmem>>
    %dma_start3A_614 = tpu.memref_slice %arg2[%mul3A_578] : memref<12288xf32, #tpu.memory_space<hbm>> -> memref<2048xf32, #tpu.memory_space<hbm>>
    tpu.enqueue_dma source(%dma_start3A_614 : memref<2048xf32, #tpu.memory_space<hbm>>) target(%dma_start3A_613 : memref<2048xf32, #tpu.memory_space<vmem>>) target_semaphore(%arg5 : memref<!tpu.dma_semaphore, #tpu.memory_space<semaphore_mem>>)
    %dma_start3A_615 = arith.constant 12288 : i32
    %dma_start3A_616 = tpu.memref_slice %arg4[%dma_start3A_615] : memref<32768xf32, #tpu.memory_space<vmem>> -> memref<2048xf32, #tpu.memory_space<vmem>>
    %dma_start3A_617 = tpu.memref_slice %arg2[%mul3A_578] : memref<12288xf32, #tpu.memory_space<hbm>> -> memref<2048xf32, #tpu.memory_space<hbm>>
    %dma_start3A_618 = arith.constant 12288 : i32
    %dma_start3A_619 = tpu.memref_slice %arg4[%dma_start3A_618] : memref<32768xf32, #tpu.memory_space<vmem>> -> memref<2048xf32, #tpu.memory_space<vmem>>
    %dma_start3A_620 = tpu.memref_slice %arg2[%mul3A_578] : memref<12288xf32, #tpu.memory_space<hbm>> -> memref<2048xf32, #tpu.memory_space<hbm>>
    tpu.enqueue_dma source(%dma_start3A_620 : memref<2048xf32, #tpu.memory_space<hbm>>) target(%dma_start3A_619 : memref<2048xf32, #tpu.memory_space<vmem>>) target_semaphore(%arg5 : memref<!tpu.dma_semaphore, #tpu.memory_space<semaphore_mem>>)
    %dma_start3A_621 = arith.constant 14336 : i32
    %dma_start3A_622 = tpu.memref_slice %arg4[%dma_start3A_621] : memref<32768xf32, #tpu.memory_space<vmem>> -> memref<2048xf32, #tpu.memory_space<vmem>>
    %dma_start3A_623 = tpu.memref_slice %arg2[%mul3A_578] : memref<12288xf32, #tpu.memory_space<hbm>> -> memref<2048xf32, #tpu.memory_space<hbm>>
    %dma_start3A_624 = arith.constant 14336 : i32
    %dma_start3A_625 = tpu.memref_slice %arg4[%dma_start3A_624] : memref<32768xf32, #tpu.memory_space<vmem>> -> memref<2048xf32, #tpu.memory_space<vmem>>
    %dma_start3A_626 = tpu.memref_slice %arg2[%mul3A_578] : memref<12288xf32, #tpu.memory_space<hbm>> -> memref<2048xf32, #tpu.memory_space<hbm>>
    tpu.enqueue_dma source(%dma_start3A_626 : memref<2048xf32, #tpu.memory_space<hbm>>) target(%dma_start3A_625 : memref<2048xf32, #tpu.memory_space<vmem>>) target_semaphore(%arg5 : memref<!tpu.dma_semaphore, #tpu.memory_space<semaphore_mem>>)
    %dma_start3A_627 = arith.constant 16384 : i32
    %dma_start3A_628 = tpu.memref_slice %arg4[%dma_start3A_627] : memref<32768xf32, #tpu.memory_space<vmem>> -> memref<2048xf32, #tpu.memory_space<vmem>>
    %dma_start3A_629 = tpu.memref_slice %arg2[%mul3A_578] : memref<12288xf32, #tpu.memory_space<hbm>> -> memref<2048xf32, #tpu.memory_space<hbm>>
    %dma_start3A_630 = arith.constant 16384 : i32
    %dma_start3A_631 = tpu.memref_slice %arg4[%dma_start3A_630] : memref<32768xf32, #tpu.memory_space<vmem>> -> memref<2048xf32, #tpu.memory_space<vmem>>
    %dma_start3A_632 = tpu.memref_slice %arg2[%mul3A_578] : memref<12288xf32, #tpu.memory_space<hbm>> -> memref<2048xf32, #tpu.memory_space<hbm>>
    tpu.enqueue_dma source(%dma_start3A_632 : memref<2048xf32, #tpu.memory_space<hbm>>) target(%dma_start3A_631 : memref<2048xf32, #tpu.memory_space<vmem>>) target_semaphore(%arg5 : memref<!tpu.dma_semaphore, #tpu.memory_space<semaphore_mem>>)
    %dma_start3A_633 = arith.constant 18432 : i32
    %dma_start3A_634 = tpu.memref_slice %arg4[%dma_start3A_633] : memref<32768xf32, #tpu.memory_space<vmem>> -> memref<2048xf32, #tpu.memory_space<vmem>>
    %dma_start3A_635 = tpu.memref_slice %arg2[%mul3A_578] : memref<12288xf32, #tpu.memory_space<hbm>> -> memref<2048xf32, #tpu.memory_space<hbm>>
    %dma_start3A_636 = arith.constant 18432 : i32
    %dma_start3A_637 = tpu.memref_slice %arg4[%dma_start3A_636] : memref<32768xf32, #tpu.memory_space<vmem>> -> memref<2048xf32, #tpu.memory_space<vmem>>
    %dma_start3A_638 = tpu.memref_slice %arg2[%mul3A_578] : memref<12288xf32, #tpu.memory_space<hbm>> -> memref<2048xf32, #tpu.memory_space<hbm>>
    tpu.enqueue_dma source(%dma_start3A_638 : memref<2048xf32, #tpu.memory_space<hbm>>) target(%dma_start3A_637 : memref<2048xf32, #tpu.memory_space<vmem>>) target_semaphore(%arg5 : memref<!tpu.dma_semaphore, #tpu.memory_space<semaphore_mem>>)
    %dma_start3A_639 = arith.constant 20480 : i32
    %dma_start3A_640 = tpu.memref_slice %arg4[%dma_start3A_639] : memref<32768xf32, #tpu.memory_space<vmem>> -> memref<2048xf32, #tpu.memory_space<vmem>>
    %dma_start3A_641 = tpu.memref_slice %arg2[%mul3A_578] : memref<12288xf32, #tpu.memory_space<hbm>> -> memref<2048xf32, #tpu.memory_space<hbm>>
    %dma_start3A_642 = arith.constant 20480 : i32
    %dma_start3A_643 = tpu.memref_slice %arg4[%dma_start3A_642] : memref<32768xf32, #tpu.memory_space<vmem>> -> memref<2048xf32, #tpu.memory_space<vmem>>
    %dma_start3A_644 = tpu.memref_slice %arg2[%mul3A_578] : memref<12288xf32, #tpu.memory_space<hbm>> -> memref<2048xf32, #tpu.memory_space<hbm>>
    tpu.enqueue_dma source(%dma_start3A_644 : memref<2048xf32, #tpu.memory_space<hbm>>) target(%dma_start3A_643 : memref<2048xf32, #tpu.memory_space<vmem>>) target_semaphore(%arg5 : memref<!tpu.dma_semaphore, #tpu.memory_space<semaphore_mem>>)
    %dma_start3A_645 = arith.constant 22528 : i32
    %dma_start3A_646 = tpu.memref_slice %arg4[%dma_start3A_645] : memref<32768xf32, #tpu.memory_space<vmem>> -> memref<2048xf32, #tpu.memory_space<vmem>>
    %dma_start3A_647 = tpu.memref_slice %arg2[%mul3A_578] : memref<12288xf32, #tpu.memory_space<hbm>> -> memref<2048xf32, #tpu.memory_space<hbm>>
    %dma_start3A_648 = arith.constant 22528 : i32
    %dma_start3A_649 = tpu.memref_slice %arg4[%dma_start3A_648] : memref<32768xf32, #tpu.memory_space<vmem>> -> memref<2048xf32, #tpu.memory_space<vmem>>
    %dma_start3A_650 = tpu.memref_slice %arg2[%mul3A_578] : memref<12288xf32, #tpu.memory_space<hbm>> -> memref<2048xf32, #tpu.memory_space<hbm>>
    tpu.enqueue_dma source(%dma_start3A_650 : memref<2048xf32, #tpu.memory_space<hbm>>) target(%dma_start3A_649 : memref<2048xf32, #tpu.memory_space<vmem>>) target_semaphore(%arg5 : memref<!tpu.dma_semaphore, #tpu.memory_space<semaphore_mem>>)
    %dma_start3A_651 = arith.constant 24576 : i32
    %dma_start3A_652 = tpu.memref_slice %arg4[%dma_start3A_651] : memref<32768xf32, #tpu.memory_space<vmem>> -> memref<2048xf32, #tpu.memory_space<vmem>>
    %dma_start3A_653 = tpu.memref_slice %arg2[%mul3A_578] : memref<12288xf32, #tpu.memory_space<hbm>> -> memref<2048xf32, #tpu.memory_space<hbm>>
    %dma_start3A_654 = arith.constant 24576 : i32
    %dma_start3A_655 = tpu.memref_slice %arg4[%dma_start3A_654] : memref<32768xf32, #tpu.memory_space<vmem>> -> memref<2048xf32, #tpu.memory_space<vmem>>
    %dma_start3A_656 = tpu.memref_slice %arg2[%mul3A_578] : memref<12288xf32, #tpu.memory_space<hbm>> -> memref<2048xf32, #tpu.memory_space<hbm>>
    tpu.enqueue_dma source(%dma_start3A_656 : memref<2048xf32, #tpu.memory_space<hbm>>) target(%dma_start3A_655 : memref<2048xf32, #tpu.memory_space<vmem>>) target_semaphore(%arg5 : memref<!tpu.dma_semaphore, #tpu.memory_space<semaphore_mem>>)
    %dma_start3A_657 = arith.constant 26624 : i32
    %dma_start3A_658 = tpu.memref_slice %arg4[%dma_start3A_657] : memref<32768xf32, #tpu.memory_space<vmem>> -> memref<2048xf32, #tpu.memory_space<vmem>>
    %dma_start3A_659 = tpu.memref_slice %arg2[%mul3A_578] : memref<12288xf32, #tpu.memory_space<hbm>> -> memref<2048xf32, #tpu.memory_space<hbm>>
    %dma_start3A_660 = arith.constant 26624 : i32
    %dma_start3A_661 = tpu.memref_slice %arg4[%dma_start3A_660] : memref<32768xf32, #tpu.memory_space<vmem>> -> memref<2048xf32, #tpu.memory_space<vmem>>
    %dma_start3A_662 = tpu.memref_slice %arg2[%mul3A_578] : memref<12288xf32, #tpu.memory_space<hbm>> -> memref<2048xf32, #tpu.memory_space<hbm>>
    tpu.enqueue_dma source(%dma_start3A_662 : memref<2048xf32, #tpu.memory_space<hbm>>) target(%dma_start3A_661 : memref<2048xf32, #tpu.memory_space<vmem>>) target_semaphore(%arg5 : memref<!tpu.dma_semaphore, #tpu.memory_space<semaphore_mem>>)
    %dma_start3A_663 = arith.constant 28672 : i32
    %dma_start3A_664 = tpu.memref_slice %arg4[%dma_start3A_663] : memref<32768xf32, #tpu.memory_space<vmem>> -> memref<2048xf32, #tpu.memory_space<vmem>>
    %dma_start3A_665 = tpu.memref_slice %arg2[%mul3A_578] : memref<12288xf32, #tpu.memory_space<hbm>> -> memref<2048xf32, #tpu.memory_space<hbm>>
    %dma_start3A_666 = arith.constant 28672 : i32
    %dma_start3A_667 = tpu.memref_slice %arg4[%dma_start3A_666] : memref<32768xf32, #tpu.memory_space<vmem>> -> memref<2048xf32, #tpu.memory_space<vmem>>
    %dma_start3A_668 = tpu.memref_slice %arg2[%mul3A_578] : memref<12288xf32, #tpu.memory_space<hbm>> -> memref<2048xf32, #tpu.memory_space<hbm>>
    tpu.enqueue_dma source(%dma_start3A_668 : memref<2048xf32, #tpu.memory_space<hbm>>) target(%dma_start3A_667 : memref<2048xf32, #tpu.memory_space<vmem>>) target_semaphore(%arg5 : memref<!tpu.dma_semaphore, #tpu.memory_space<semaphore_mem>>)
    %dma_start3A_669 = arith.constant 30720 : i32
    %dma_start3A_670 = tpu.memref_slice %arg4[%dma_start3A_669] : memref<32768xf32, #tpu.memory_space<vmem>> -> memref<2048xf32, #tpu.memory_space<vmem>>
    %dma_start3A_671 = tpu.memref_slice %arg2[%mul3A_578] : memref<12288xf32, #tpu.memory_space<hbm>> -> memref<2048xf32, #tpu.memory_space<hbm>>
    %dma_start3A_672 = arith.constant 30720 : i32
    %dma_start3A_673 = tpu.memref_slice %arg4[%dma_start3A_672] : memref<32768xf32, #tpu.memory_space<vmem>> -> memref<2048xf32, #tpu.memory_space<vmem>>
    %dma_start3A_674 = tpu.memref_slice %arg2[%mul3A_578] : memref<12288xf32, #tpu.memory_space<hbm>> -> memref<2048xf32, #tpu.memory_space<hbm>>
    tpu.enqueue_dma source(%dma_start3A_674 : memref<2048xf32, #tpu.memory_space<hbm>>) target(%dma_start3A_673 : memref<2048xf32, #tpu.memory_space<vmem>>) target_semaphore(%arg5 : memref<!tpu.dma_semaphore, #tpu.memory_space<semaphore_mem>>)
    %dma_wait3A_675 = arith.constant 0 : i32
    %dma_wait3A_676 = tpu.memref_slice %arg4[%dma_wait3A_675] : memref<32768xf32, #tpu.memory_space<vmem>> -> memref<2048xf32, #tpu.memory_space<vmem>>
    %dma_wait3A_677 = tpu.memref_slice %arg2[%mul3A_578] : memref<12288xf32, #tpu.memory_space<hbm>> -> memref<2048xf32, #tpu.memory_space<hbm>>
    %dma_wait3A_678 = arith.constant 0 : i32
    %dma_wait3A_679 = tpu.memref_slice %arg4[%dma_wait3A_678] : memref<32768xf32, #tpu.memory_space<vmem>> -> memref<2048xf32, #tpu.memory_space<vmem>>
    %dma_wait3A_680 = tpu.memref_slice %arg2[%mul3A_578] : memref<12288xf32, #tpu.memory_space<hbm>> -> memref<2048xf32, #tpu.memory_space<hbm>>
    tpu.wait_dma2 semaphore(%arg5 : memref<!tpu.dma_semaphore, #tpu.memory_space<semaphore_mem>>) src(%dma_wait3A_680 : memref<2048xf32, #tpu.memory_space<hbm>>) dst(%dma_wait3A_679 : memref<2048xf32, #tpu.memory_space<vmem>>)
    %dma_wait3A_681 = arith.constant 2048 : i32
    %dma_wait3A_682 = tpu.memref_slice %arg4[%dma_wait3A_681] : memref<32768xf32, #tpu.memory_space<vmem>> -> memref<2048xf32, #tpu.memory_space<vmem>>
    %dma_wait3A_683 = tpu.memref_slice %arg2[%mul3A_578] : memref<12288xf32, #tpu.memory_space<hbm>> -> memref<2048xf32, #tpu.memory_space<hbm>>
    %dma_wait3A_684 = arith.constant 2048 : i32
    %dma_wait3A_685 = tpu.memref_slice %arg4[%dma_wait3A_684] : memref<32768xf32, #tpu.memory_space<vmem>> -> memref<2048xf32, #tpu.memory_space<vmem>>
    %dma_wait3A_686 = tpu.memref_slice %arg2[%mul3A_578] : memref<12288xf32, #tpu.memory_space<hbm>> -> memref<2048xf32, #tpu.memory_space<hbm>>
    tpu.wait_dma2 semaphore(%arg5 : memref<!tpu.dma_semaphore, #tpu.memory_space<semaphore_mem>>) src(%dma_wait3A_686 : memref<2048xf32, #tpu.memory_space<hbm>>) dst(%dma_wait3A_685 : memref<2048xf32, #tpu.memory_space<vmem>>)
    %dma_wait3A_687 = arith.constant 4096 : i32
    %dma_wait3A_688 = tpu.memref_slice %arg4[%dma_wait3A_687] : memref<32768xf32, #tpu.memory_space<vmem>> -> memref<2048xf32, #tpu.memory_space<vmem>>
    %dma_wait3A_689 = tpu.memref_slice %arg2[%mul3A_578] : memref<12288xf32, #tpu.memory_space<hbm>> -> memref<2048xf32, #tpu.memory_space<hbm>>
    %dma_wait3A_690 = arith.constant 4096 : i32
    %dma_wait3A_691 = tpu.memref_slice %arg4[%dma_wait3A_690] : memref<32768xf32, #tpu.memory_space<vmem>> -> memref<2048xf32, #tpu.memory_space<vmem>>
    %dma_wait3A_692 = tpu.memref_slice %arg2[%mul3A_578] : memref<12288xf32, #tpu.memory_space<hbm>> -> memref<2048xf32, #tpu.memory_space<hbm>>
    tpu.wait_dma2 semaphore(%arg5 : memref<!tpu.dma_semaphore, #tpu.memory_space<semaphore_mem>>) src(%dma_wait3A_692 : memref<2048xf32, #tpu.memory_space<hbm>>) dst(%dma_wait3A_691 : memref<2048xf32, #tpu.memory_space<vmem>>)
    %dma_wait3A_693 = arith.constant 6144 : i32
    %dma_wait3A_694 = tpu.memref_slice %arg4[%dma_wait3A_693] : memref<32768xf32, #tpu.memory_space<vmem>> -> memref<2048xf32, #tpu.memory_space<vmem>>
    %dma_wait3A_695 = tpu.memref_slice %arg2[%mul3A_578] : memref<12288xf32, #tpu.memory_space<hbm>> -> memref<2048xf32, #tpu.memory_space<hbm>>
    %dma_wait3A_696 = arith.constant 6144 : i32
    %dma_wait3A_697 = tpu.memref_slice %arg4[%dma_wait3A_696] : memref<32768xf32, #tpu.memory_space<vmem>> -> memref<2048xf32, #tpu.memory_space<vmem>>
    %dma_wait3A_698 = tpu.memref_slice %arg2[%mul3A_578] : memref<12288xf32, #tpu.memory_space<hbm>> -> memref<2048xf32, #tpu.memory_space<hbm>>
    tpu.wait_dma2 semaphore(%arg5 : memref<!tpu.dma_semaphore, #tpu.memory_space<semaphore_mem>>) src(%dma_wait3A_698 : memref<2048xf32, #tpu.memory_space<hbm>>) dst(%dma_wait3A_697 : memref<2048xf32, #tpu.memory_space<vmem>>)
    %dma_wait3A_699 = arith.constant 8192 : i32
    %dma_wait3A_700 = tpu.memref_slice %arg4[%dma_wait3A_699] : memref<32768xf32, #tpu.memory_space<vmem>> -> memref<2048xf32, #tpu.memory_space<vmem>>
    %dma_wait3A_701 = tpu.memref_slice %arg2[%mul3A_578] : memref<12288xf32, #tpu.memory_space<hbm>> -> memref<2048xf32, #tpu.memory_space<hbm>>
    %dma_wait3A_702 = arith.constant 8192 : i32
    %dma_wait3A_703 = tpu.memref_slice %arg4[%dma_wait3A_702] : memref<32768xf32, #tpu.memory_space<vmem>> -> memref<2048xf32, #tpu.memory_space<vmem>>
    %dma_wait3A_704 = tpu.memref_slice %arg2[%mul3A_578] : memref<12288xf32, #tpu.memory_space<hbm>> -> memref<2048xf32, #tpu.memory_space<hbm>>
    tpu.wait_dma2 semaphore(%arg5 : memref<!tpu.dma_semaphore, #tpu.memory_space<semaphore_mem>>) src(%dma_wait3A_704 : memref<2048xf32, #tpu.memory_space<hbm>>) dst(%dma_wait3A_703 : memref<2048xf32, #tpu.memory_space<vmem>>)
    %dma_wait3A_705 = arith.constant 10240 : i32
    %dma_wait3A_706 = tpu.memref_slice %arg4[%dma_wait3A_705] : memref<32768xf32, #tpu.memory_space<vmem>> -> memref<2048xf32, #tpu.memory_space<vmem>>
    %dma_wait3A_707 = tpu.memref_slice %arg2[%mul3A_578] : memref<12288xf32, #tpu.memory_space<hbm>> -> memref<2048xf32, #tpu.memory_space<hbm>>
    %dma_wait3A_708 = arith.constant 10240 : i32
    %dma_wait3A_709 = tpu.memref_slice %arg4[%dma_wait3A_708] : memref<32768xf32, #tpu.memory_space<vmem>> -> memref<2048xf32, #tpu.memory_space<vmem>>
    %dma_wait3A_710 = tpu.memref_slice %arg2[%mul3A_578] : memref<12288xf32, #tpu.memory_space<hbm>> -> memref<2048xf32, #tpu.memory_space<hbm>>
    tpu.wait_dma2 semaphore(%arg5 : memref<!tpu.dma_semaphore, #tpu.memory_space<semaphore_mem>>) src(%dma_wait3A_710 : memref<2048xf32, #tpu.memory_space<hbm>>) dst(%dma_wait3A_709 : memref<2048xf32, #tpu.memory_space<vmem>>)
    %dma_wait3A_711 = arith.constant 12288 : i32
    %dma_wait3A_712 = tpu.memref_slice %arg4[%dma_wait3A_711] : memref<32768xf32, #tpu.memory_space<vmem>> -> memref<2048xf32, #tpu.memory_space<vmem>>
    %dma_wait3A_713 = tpu.memref_slice %arg2[%mul3A_578] : memref<12288xf32, #tpu.memory_space<hbm>> -> memref<2048xf32, #tpu.memory_space<hbm>>
    %dma_wait3A_714 = arith.constant 12288 : i32
    %dma_wait3A_715 = tpu.memref_slice %arg4[%dma_wait3A_714] : memref<32768xf32, #tpu.memory_space<vmem>> -> memref<2048xf32, #tpu.memory_space<vmem>>
    %dma_wait3A_716 = tpu.memref_slice %arg2[%mul3A_578] : memref<12288xf32, #tpu.memory_space<hbm>> -> memref<2048xf32, #tpu.memory_space<hbm>>
    tpu.wait_dma2 semaphore(%arg5 : memref<!tpu.dma_semaphore, #tpu.memory_space<semaphore_mem>>) src(%dma_wait3A_716 : memref<2048xf32, #tpu.memory_space<hbm>>) dst(%dma_wait3A_715 : memref<2048xf32, #tpu.memory_space<vmem>>)
    %dma_wait3A_717 = arith.constant 14336 : i32
    %dma_wait3A_718 = tpu.memref_slice %arg4[%dma_wait3A_717] : memref<32768xf32, #tpu.memory_space<vmem>> -> memref<2048xf32, #tpu.memory_space<vmem>>
    %dma_wait3A_719 = tpu.memref_slice %arg2[%mul3A_578] : memref<12288xf32, #tpu.memory_space<hbm>> -> memref<2048xf32, #tpu.memory_space<hbm>>
    %dma_wait3A_720 = arith.constant 14336 : i32
    %dma_wait3A_721 = tpu.memref_slice %arg4[%dma_wait3A_720] : memref<32768xf32, #tpu.memory_space<vmem>> -> memref<2048xf32, #tpu.memory_space<vmem>>
    %dma_wait3A_722 = tpu.memref_slice %arg2[%mul3A_578] : memref<12288xf32, #tpu.memory_space<hbm>> -> memref<2048xf32, #tpu.memory_space<hbm>>
    tpu.wait_dma2 semaphore(%arg5 : memref<!tpu.dma_semaphore, #tpu.memory_space<semaphore_mem>>) src(%dma_wait3A_722 : memref<2048xf32, #tpu.memory_space<hbm>>) dst(%dma_wait3A_721 : memref<2048xf32, #tpu.memory_space<vmem>>)
    %dma_wait3A_723 = arith.constant 16384 : i32
    %dma_wait3A_724 = tpu.memref_slice %arg4[%dma_wait3A_723] : memref<32768xf32, #tpu.memory_space<vmem>> -> memref<2048xf32, #tpu.memory_space<vmem>>
    %dma_wait3A_725 = tpu.memref_slice %arg2[%mul3A_578] : memref<12288xf32, #tpu.memory_space<hbm>> -> memref<2048xf32, #tpu.memory_space<hbm>>
    %dma_wait3A_726 = arith.constant 16384 : i32
    %dma_wait3A_727 = tpu.memref_slice %arg4[%dma_wait3A_726] : memref<32768xf32, #tpu.memory_space<vmem>> -> memref<2048xf32, #tpu.memory_space<vmem>>
    %dma_wait3A_728 = tpu.memref_slice %arg2[%mul3A_578] : memref<12288xf32, #tpu.memory_space<hbm>> -> memref<2048xf32, #tpu.memory_space<hbm>>
    tpu.wait_dma2 semaphore(%arg5 : memref<!tpu.dma_semaphore, #tpu.memory_space<semaphore_mem>>) src(%dma_wait3A_728 : memref<2048xf32, #tpu.memory_space<hbm>>) dst(%dma_wait3A_727 : memref<2048xf32, #tpu.memory_space<vmem>>)
    %dma_wait3A_729 = arith.constant 18432 : i32
    %dma_wait3A_730 = tpu.memref_slice %arg4[%dma_wait3A_729] : memref<32768xf32, #tpu.memory_space<vmem>> -> memref<2048xf32, #tpu.memory_space<vmem>>
    %dma_wait3A_731 = tpu.memref_slice %arg2[%mul3A_578] : memref<12288xf32, #tpu.memory_space<hbm>> -> memref<2048xf32, #tpu.memory_space<hbm>>
    %dma_wait3A_732 = arith.constant 18432 : i32
    %dma_wait3A_733 = tpu.memref_slice %arg4[%dma_wait3A_732] : memref<32768xf32, #tpu.memory_space<vmem>> -> memref<2048xf32, #tpu.memory_space<vmem>>
    %dma_wait3A_734 = tpu.memref_slice %arg2[%mul3A_578] : memref<12288xf32, #tpu.memory_space<hbm>> -> memref<2048xf32, #tpu.memory_space<hbm>>
    tpu.wait_dma2 semaphore(%arg5 : memref<!tpu.dma_semaphore, #tpu.memory_space<semaphore_mem>>) src(%dma_wait3A_734 : memref<2048xf32, #tpu.memory_space<hbm>>) dst(%dma_wait3A_733 : memref<2048xf32, #tpu.memory_space<vmem>>)
    %dma_wait3A_735 = arith.constant 20480 : i32
    %dma_wait3A_736 = tpu.memref_slice %arg4[%dma_wait3A_735] : memref<32768xf32, #tpu.memory_space<vmem>> -> memref<2048xf32, #tpu.memory_space<vmem>>
    %dma_wait3A_737 = tpu.memref_slice %arg2[%mul3A_578] : memref<12288xf32, #tpu.memory_space<hbm>> -> memref<2048xf32, #tpu.memory_space<hbm>>
    %dma_wait3A_738 = arith.constant 20480 : i32
    %dma_wait3A_739 = tpu.memref_slice %arg4[%dma_wait3A_738] : memref<32768xf32, #tpu.memory_space<vmem>> -> memref<2048xf32, #tpu.memory_space<vmem>>
    %dma_wait3A_740 = tpu.memref_slice %arg2[%mul3A_578] : memref<12288xf32, #tpu.memory_space<hbm>> -> memref<2048xf32, #tpu.memory_space<hbm>>
    tpu.wait_dma2 semaphore(%arg5 : memref<!tpu.dma_semaphore, #tpu.memory_space<semaphore_mem>>) src(%dma_wait3A_740 : memref<2048xf32, #tpu.memory_space<hbm>>) dst(%dma_wait3A_739 : memref<2048xf32, #tpu.memory_space<vmem>>)
    %dma_wait3A_741 = arith.constant 22528 : i32
    %dma_wait3A_742 = tpu.memref_slice %arg4[%dma_wait3A_741] : memref<32768xf32, #tpu.memory_space<vmem>> -> memref<2048xf32, #tpu.memory_space<vmem>>
    %dma_wait3A_743 = tpu.memref_slice %arg2[%mul3A_578] : memref<12288xf32, #tpu.memory_space<hbm>> -> memref<2048xf32, #tpu.memory_space<hbm>>
    %dma_wait3A_744 = arith.constant 22528 : i32
    %dma_wait3A_745 = tpu.memref_slice %arg4[%dma_wait3A_744] : memref<32768xf32, #tpu.memory_space<vmem>> -> memref<2048xf32, #tpu.memory_space<vmem>>
    %dma_wait3A_746 = tpu.memref_slice %arg2[%mul3A_578] : memref<12288xf32, #tpu.memory_space<hbm>> -> memref<2048xf32, #tpu.memory_space<hbm>>
    tpu.wait_dma2 semaphore(%arg5 : memref<!tpu.dma_semaphore, #tpu.memory_space<semaphore_mem>>) src(%dma_wait3A_746 : memref<2048xf32, #tpu.memory_space<hbm>>) dst(%dma_wait3A_745 : memref<2048xf32, #tpu.memory_space<vmem>>)
    %dma_wait3A_747 = arith.constant 24576 : i32
    %dma_wait3A_748 = tpu.memref_slice %arg4[%dma_wait3A_747] : memref<32768xf32, #tpu.memory_space<vmem>> -> memref<2048xf32, #tpu.memory_space<vmem>>
    %dma_wait3A_749 = tpu.memref_slice %arg2[%mul3A_578] : memref<12288xf32, #tpu.memory_space<hbm>> -> memref<2048xf32, #tpu.memory_space<hbm>>
    %dma_wait3A_750 = arith.constant 24576 : i32
    %dma_wait3A_751 = tpu.memref_slice %arg4[%dma_wait3A_750] : memref<32768xf32, #tpu.memory_space<vmem>> -> memref<2048xf32, #tpu.memory_space<vmem>>
    %dma_wait3A_752 = tpu.memref_slice %arg2[%mul3A_578] : memref<12288xf32, #tpu.memory_space<hbm>> -> memref<2048xf32, #tpu.memory_space<hbm>>
    tpu.wait_dma2 semaphore(%arg5 : memref<!tpu.dma_semaphore, #tpu.memory_space<semaphore_mem>>) src(%dma_wait3A_752 : memref<2048xf32, #tpu.memory_space<hbm>>) dst(%dma_wait3A_751 : memref<2048xf32, #tpu.memory_space<vmem>>)
    %dma_wait3A_753 = arith.constant 26624 : i32
    %dma_wait3A_754 = tpu.memref_slice %arg4[%dma_wait3A_753] : memref<32768xf32, #tpu.memory_space<vmem>> -> memref<2048xf32, #tpu.memory_space<vmem>>
    %dma_wait3A_755 = tpu.memref_slice %arg2[%mul3A_578] : memref<12288xf32, #tpu.memory_space<hbm>> -> memref<2048xf32, #tpu.memory_space<hbm>>
    %dma_wait3A_756 = arith.constant 26624 : i32
    %dma_wait3A_757 = tpu.memref_slice %arg4[%dma_wait3A_756] : memref<32768xf32, #tpu.memory_space<vmem>> -> memref<2048xf32, #tpu.memory_space<vmem>>
    %dma_wait3A_758 = tpu.memref_slice %arg2[%mul3A_578] : memref<12288xf32, #tpu.memory_space<hbm>> -> memref<2048xf32, #tpu.memory_space<hbm>>
    tpu.wait_dma2 semaphore(%arg5 : memref<!tpu.dma_semaphore, #tpu.memory_space<semaphore_mem>>) src(%dma_wait3A_758 : memref<2048xf32, #tpu.memory_space<hbm>>) dst(%dma_wait3A_757 : memref<2048xf32, #tpu.memory_space<vmem>>)
    %dma_wait3A_759 = arith.constant 28672 : i32
    %dma_wait3A_760 = tpu.memref_slice %arg4[%dma_wait3A_759] : memref<32768xf32, #tpu.memory_space<vmem>> -> memref<2048xf32, #tpu.memory_space<vmem>>
    %dma_wait3A_761 = tpu.memref_slice %arg2[%mul3A_578] : memref<12288xf32, #tpu.memory_space<hbm>> -> memref<2048xf32, #tpu.memory_space<hbm>>
    %dma_wait3A_762 = arith.constant 28672 : i32
    %dma_wait3A_763 = tpu.memref_slice %arg4[%dma_wait3A_762] : memref<32768xf32, #tpu.memory_space<vmem>> -> memref<2048xf32, #tpu.memory_space<vmem>>
    %dma_wait3A_764 = tpu.memref_slice %arg2[%mul3A_578] : memref<12288xf32, #tpu.memory_space<hbm>> -> memref<2048xf32, #tpu.memory_space<hbm>>
    tpu.wait_dma2 semaphore(%arg5 : memref<!tpu.dma_semaphore, #tpu.memory_space<semaphore_mem>>) src(%dma_wait3A_764 : memref<2048xf32, #tpu.memory_space<hbm>>) dst(%dma_wait3A_763 : memref<2048xf32, #tpu.memory_space<vmem>>)
    %dma_wait3A_765 = arith.constant 30720 : i32
    %dma_wait3A_766 = tpu.memref_slice %arg4[%dma_wait3A_765] : memref<32768xf32, #tpu.memory_space<vmem>> -> memref<2048xf32, #tpu.memory_space<vmem>>
    %dma_wait3A_767 = tpu.memref_slice %arg2[%mul3A_578] : memref<12288xf32, #tpu.memory_space<hbm>> -> memref<2048xf32, #tpu.memory_space<hbm>>
    %dma_wait3A_768 = arith.constant 30720 : i32
    %dma_wait3A_769 = tpu.memref_slice %arg4[%dma_wait3A_768] : memref<32768xf32, #tpu.memory_space<vmem>> -> memref<2048xf32, #tpu.memory_space<vmem>>
    %dma_wait3A_770 = tpu.memref_slice %arg2[%mul3A_578] : memref<12288xf32, #tpu.memory_space<hbm>> -> memref<2048xf32, #tpu.memory_space<hbm>>
    tpu.wait_dma2 semaphore(%arg5 : memref<!tpu.dma_semaphore, #tpu.memory_space<semaphore_mem>>) src(%dma_wait3A_770 : memref<2048xf32, #tpu.memory_space<hbm>>) dst(%dma_wait3A_769 : memref<2048xf32, #tpu.memory_space<vmem>>)
    %add3A_771 = arith.constant 8192 : i32
    %add3A_772 = arith.addi %add3A_771, %mul3A_18 : i32
    %add3A_773 = arith.constant 0 : i32
    %add3A_774 = arith.addi %add3A_772, %add3A_773 : i32
    %mul3A_775 = arith.constant 2048 : i32
    %mul3A_776 = arith.muli %add3A_774, %mul3A_775 : i32
    %add3A_777 = arith.constant 8192 : i32
    %add3A_778 = arith.addi %add3A_777, %mul3A_18 : i32
    %add3A_779 = arith.constant 16 : i32
    %add3A_780 = arith.addi %add3A_778, %add3A_779 : i32
    %mul3A_781 = arith.constant 2048 : i32
    %mul3A_782 = arith.muli %add3A_780, %mul3A_781 : i32
    %add3A_783 = arith.constant 8192 : i32
    %add3A_784 = arith.addi %add3A_783, %mul3A_18 : i32
    %add3A_785 = arith.constant 32 : i32
    %add3A_786 = arith.addi %add3A_784, %add3A_785 : i32
    %mul3A_787 = arith.constant 2048 : i32
    %mul3A_788 = arith.muli %add3A_786, %mul3A_787 : i32
    %add3A_789 = arith.constant 8192 : i32
    %add3A_790 = arith.addi %add3A_789, %mul3A_18 : i32
    %add3A_791 = arith.constant 48 : i32
    %add3A_792 = arith.addi %add3A_790, %add3A_791 : i32
    %mul3A_793 = arith.constant 2048 : i32
    %mul3A_794 = arith.muli %add3A_792, %mul3A_793 : i32
    %add3A_795 = arith.constant 8192 : i32
    %add3A_796 = arith.addi %add3A_795, %mul3A_18 : i32
    %add3A_797 = arith.constant 64 : i32
    %add3A_798 = arith.addi %add3A_796, %add3A_797 : i32
    %mul3A_799 = arith.constant 2048 : i32
    %mul3A_800 = arith.muli %add3A_798, %mul3A_799 : i32
    %add3A_801 = arith.constant 8192 : i32
    %add3A_802 = arith.addi %add3A_801, %mul3A_18 : i32
    %add3A_803 = arith.constant 80 : i32
    %add3A_804 = arith.addi %add3A_802, %add3A_803 : i32
    %mul3A_805 = arith.constant 2048 : i32
    %mul3A_806 = arith.muli %add3A_804, %mul3A_805 : i32
    %add3A_807 = arith.constant 8192 : i32
    %add3A_808 = arith.addi %add3A_807, %mul3A_18 : i32
    %add3A_809 = arith.constant 96 : i32
    %add3A_810 = arith.addi %add3A_808, %add3A_809 : i32
    %mul3A_811 = arith.constant 2048 : i32
    %mul3A_812 = arith.muli %add3A_810, %mul3A_811 : i32
    %add3A_813 = arith.constant 8192 : i32
    %add3A_814 = arith.addi %add3A_813, %mul3A_18 : i32
    %add3A_815 = arith.constant 112 : i32
    %add3A_816 = arith.addi %add3A_814, %add3A_815 : i32
    %mul3A_817 = arith.constant 2048 : i32
    %mul3A_818 = arith.muli %add3A_816, %mul3A_817 : i32
    %dma_start3A_819 = tpu.memref_slice %arg3[%mul3A_776] : memref<25165824xf32, #tpu.memory_space<hbm>> -> memref<32768xf32, #tpu.memory_space<hbm>>
    %dma_start3A_820 = tpu.memref_slice %arg3[%mul3A_776] : memref<25165824xf32, #tpu.memory_space<hbm>> -> memref<32768xf32, #tpu.memory_space<hbm>>
    tpu.enqueue_dma source(%arg4 : memref<32768xf32, #tpu.memory_space<vmem>>) target(%dma_start3A_820 : memref<32768xf32, #tpu.memory_space<hbm>>) target_semaphore(%arg5 : memref<!tpu.dma_semaphore, #tpu.memory_space<semaphore_mem>>)
    %dma_start3A_821 = tpu.memref_slice %arg3[%mul3A_782] : memref<25165824xf32, #tpu.memory_space<hbm>> -> memref<32768xf32, #tpu.memory_space<hbm>>
    %dma_start3A_822 = tpu.memref_slice %arg3[%mul3A_782] : memref<25165824xf32, #tpu.memory_space<hbm>> -> memref<32768xf32, #tpu.memory_space<hbm>>
    tpu.enqueue_dma source(%arg4 : memref<32768xf32, #tpu.memory_space<vmem>>) target(%dma_start3A_822 : memref<32768xf32, #tpu.memory_space<hbm>>) target_semaphore(%arg5 : memref<!tpu.dma_semaphore, #tpu.memory_space<semaphore_mem>>)
    %dma_start3A_823 = tpu.memref_slice %arg3[%mul3A_788] : memref<25165824xf32, #tpu.memory_space<hbm>> -> memref<32768xf32, #tpu.memory_space<hbm>>
    %dma_start3A_824 = tpu.memref_slice %arg3[%mul3A_788] : memref<25165824xf32, #tpu.memory_space<hbm>> -> memref<32768xf32, #tpu.memory_space<hbm>>
    tpu.enqueue_dma source(%arg4 : memref<32768xf32, #tpu.memory_space<vmem>>) target(%dma_start3A_824 : memref<32768xf32, #tpu.memory_space<hbm>>) target_semaphore(%arg5 : memref<!tpu.dma_semaphore, #tpu.memory_space<semaphore_mem>>)
    %dma_start3A_825 = tpu.memref_slice %arg3[%mul3A_794] : memref<25165824xf32, #tpu.memory_space<hbm>> -> memref<32768xf32, #tpu.memory_space<hbm>>
    %dma_start3A_826 = tpu.memref_slice %arg3[%mul3A_794] : memref<25165824xf32, #tpu.memory_space<hbm>> -> memref<32768xf32, #tpu.memory_space<hbm>>
    tpu.enqueue_dma source(%arg4 : memref<32768xf32, #tpu.memory_space<vmem>>) target(%dma_start3A_826 : memref<32768xf32, #tpu.memory_space<hbm>>) target_semaphore(%arg5 : memref<!tpu.dma_semaphore, #tpu.memory_space<semaphore_mem>>)
    %dma_start3A_827 = tpu.memref_slice %arg3[%mul3A_800] : memref<25165824xf32, #tpu.memory_space<hbm>> -> memref<32768xf32, #tpu.memory_space<hbm>>
    %dma_start3A_828 = tpu.memref_slice %arg3[%mul3A_800] : memref<25165824xf32, #tpu.memory_space<hbm>> -> memref<32768xf32, #tpu.memory_space<hbm>>
    tpu.enqueue_dma source(%arg4 : memref<32768xf32, #tpu.memory_space<vmem>>) target(%dma_start3A_828 : memref<32768xf32, #tpu.memory_space<hbm>>) target_semaphore(%arg5 : memref<!tpu.dma_semaphore, #tpu.memory_space<semaphore_mem>>)
    %dma_start3A_829 = tpu.memref_slice %arg3[%mul3A_806] : memref<25165824xf32, #tpu.memory_space<hbm>> -> memref<32768xf32, #tpu.memory_space<hbm>>
    %dma_start3A_830 = tpu.memref_slice %arg3[%mul3A_806] : memref<25165824xf32, #tpu.memory_space<hbm>> -> memref<32768xf32, #tpu.memory_space<hbm>>
    tpu.enqueue_dma source(%arg4 : memref<32768xf32, #tpu.memory_space<vmem>>) target(%dma_start3A_830 : memref<32768xf32, #tpu.memory_space<hbm>>) target_semaphore(%arg5 : memref<!tpu.dma_semaphore, #tpu.memory_space<semaphore_mem>>)
    %dma_start3A_831 = tpu.memref_slice %arg3[%mul3A_812] : memref<25165824xf32, #tpu.memory_space<hbm>> -> memref<32768xf32, #tpu.memory_space<hbm>>
    %dma_start3A_832 = tpu.memref_slice %arg3[%mul3A_812] : memref<25165824xf32, #tpu.memory_space<hbm>> -> memref<32768xf32, #tpu.memory_space<hbm>>
    tpu.enqueue_dma source(%arg4 : memref<32768xf32, #tpu.memory_space<vmem>>) target(%dma_start3A_832 : memref<32768xf32, #tpu.memory_space<hbm>>) target_semaphore(%arg5 : memref<!tpu.dma_semaphore, #tpu.memory_space<semaphore_mem>>)
    %dma_start3A_833 = tpu.memref_slice %arg3[%mul3A_818] : memref<25165824xf32, #tpu.memory_space<hbm>> -> memref<32768xf32, #tpu.memory_space<hbm>>
    %dma_start3A_834 = tpu.memref_slice %arg3[%mul3A_818] : memref<25165824xf32, #tpu.memory_space<hbm>> -> memref<32768xf32, #tpu.memory_space<hbm>>
    tpu.enqueue_dma source(%arg4 : memref<32768xf32, #tpu.memory_space<vmem>>) target(%dma_start3A_834 : memref<32768xf32, #tpu.memory_space<hbm>>) target_semaphore(%arg5 : memref<!tpu.dma_semaphore, #tpu.memory_space<semaphore_mem>>)
    %dma_wait3A_835 = tpu.memref_slice %arg3[%mul3A_776] : memref<25165824xf32, #tpu.memory_space<hbm>> -> memref<32768xf32, #tpu.memory_space<hbm>>
    %dma_wait3A_836 = tpu.memref_slice %arg3[%mul3A_776] : memref<25165824xf32, #tpu.memory_space<hbm>> -> memref<32768xf32, #tpu.memory_space<hbm>>
    tpu.wait_dma2 semaphore(%arg5 : memref<!tpu.dma_semaphore, #tpu.memory_space<semaphore_mem>>) src(%arg4 : memref<32768xf32, #tpu.memory_space<vmem>>) dst(%dma_wait3A_836 : memref<32768xf32, #tpu.memory_space<hbm>>)
    %dma_wait3A_837 = tpu.memref_slice %arg3[%mul3A_782] : memref<25165824xf32, #tpu.memory_space<hbm>> -> memref<32768xf32, #tpu.memory_space<hbm>>
    %dma_wait3A_838 = tpu.memref_slice %arg3[%mul3A_782] : memref<25165824xf32, #tpu.memory_space<hbm>> -> memref<32768xf32, #tpu.memory_space<hbm>>
    tpu.wait_dma2 semaphore(%arg5 : memref<!tpu.dma_semaphore, #tpu.memory_space<semaphore_mem>>) src(%arg4 : memref<32768xf32, #tpu.memory_space<vmem>>) dst(%dma_wait3A_838 : memref<32768xf32, #tpu.memory_space<hbm>>)
    %dma_wait3A_839 = tpu.memref_slice %arg3[%mul3A_788] : memref<25165824xf32, #tpu.memory_space<hbm>> -> memref<32768xf32, #tpu.memory_space<hbm>>
    %dma_wait3A_840 = tpu.memref_slice %arg3[%mul3A_788] : memref<25165824xf32, #tpu.memory_space<hbm>> -> memref<32768xf32, #tpu.memory_space<hbm>>
    tpu.wait_dma2 semaphore(%arg5 : memref<!tpu.dma_semaphore, #tpu.memory_space<semaphore_mem>>) src(%arg4 : memref<32768xf32, #tpu.memory_space<vmem>>) dst(%dma_wait3A_840 : memref<32768xf32, #tpu.memory_space<hbm>>)
    %dma_wait3A_841 = tpu.memref_slice %arg3[%mul3A_794] : memref<25165824xf32, #tpu.memory_space<hbm>> -> memref<32768xf32, #tpu.memory_space<hbm>>
    %dma_wait3A_842 = tpu.memref_slice %arg3[%mul3A_794] : memref<25165824xf32, #tpu.memory_space<hbm>> -> memref<32768xf32, #tpu.memory_space<hbm>>
    tpu.wait_dma2 semaphore(%arg5 : memref<!tpu.dma_semaphore, #tpu.memory_space<semaphore_mem>>) src(%arg4 : memref<32768xf32, #tpu.memory_space<vmem>>) dst(%dma_wait3A_842 : memref<32768xf32, #tpu.memory_space<hbm>>)
    %dma_wait3A_843 = tpu.memref_slice %arg3[%mul3A_800] : memref<25165824xf32, #tpu.memory_space<hbm>> -> memref<32768xf32, #tpu.memory_space<hbm>>
    %dma_wait3A_844 = tpu.memref_slice %arg3[%mul3A_800] : memref<25165824xf32, #tpu.memory_space<hbm>> -> memref<32768xf32, #tpu.memory_space<hbm>>
    tpu.wait_dma2 semaphore(%arg5 : memref<!tpu.dma_semaphore, #tpu.memory_space<semaphore_mem>>) src(%arg4 : memref<32768xf32, #tpu.memory_space<vmem>>) dst(%dma_wait3A_844 : memref<32768xf32, #tpu.memory_space<hbm>>)
    %dma_wait3A_845 = tpu.memref_slice %arg3[%mul3A_806] : memref<25165824xf32, #tpu.memory_space<hbm>> -> memref<32768xf32, #tpu.memory_space<hbm>>
    %dma_wait3A_846 = tpu.memref_slice %arg3[%mul3A_806] : memref<25165824xf32, #tpu.memory_space<hbm>> -> memref<32768xf32, #tpu.memory_space<hbm>>
    tpu.wait_dma2 semaphore(%arg5 : memref<!tpu.dma_semaphore, #tpu.memory_space<semaphore_mem>>) src(%arg4 : memref<32768xf32, #tpu.memory_space<vmem>>) dst(%dma_wait3A_846 : memref<32768xf32, #tpu.memory_space<hbm>>)
    %dma_wait3A_847 = tpu.memref_slice %arg3[%mul3A_812] : memref<25165824xf32, #tpu.memory_space<hbm>> -> memref<32768xf32, #tpu.memory_space<hbm>>
    %dma_wait3A_848 = tpu.memref_slice %arg3[%mul3A_812] : memref<25165824xf32, #tpu.memory_space<hbm>> -> memref<32768xf32, #tpu.memory_space<hbm>>
    tpu.wait_dma2 semaphore(%arg5 : memref<!tpu.dma_semaphore, #tpu.memory_space<semaphore_mem>>) src(%arg4 : memref<32768xf32, #tpu.memory_space<vmem>>) dst(%dma_wait3A_848 : memref<32768xf32, #tpu.memory_space<hbm>>)
    %dma_wait3A_849 = tpu.memref_slice %arg3[%mul3A_818] : memref<25165824xf32, #tpu.memory_space<hbm>> -> memref<32768xf32, #tpu.memory_space<hbm>>
    %dma_wait3A_850 = tpu.memref_slice %arg3[%mul3A_818] : memref<25165824xf32, #tpu.memory_space<hbm>> -> memref<32768xf32, #tpu.memory_space<hbm>>
    tpu.wait_dma2 semaphore(%arg5 : memref<!tpu.dma_semaphore, #tpu.memory_space<semaphore_mem>>) src(%arg4 : memref<32768xf32, #tpu.memory_space<vmem>>) dst(%dma_wait3A_850 : memref<32768xf32, #tpu.memory_space<hbm>>)
    return
  }
}

module attributes {stable_mosaic.version = 14 : i64} {
  func.func @_g0_body(%arg0: i32, %arg1: memref<3x256x1xf32, #tpu.memory_space<vmem>>, %arg2: memref<3x256x2048xf32, #tpu.memory_space<vmem>>) attributes {dimension_semantics = [#tpu.dimension_semantics<parallel>], iteration_bounds = array<i64: 16>, scalar_prefetch = 0 : i64, scratch_operands = 0 : i64, tpu.core_type = #tpu.core_type<tc>, window_params = [{transform_indices = @transform_0, window_bounds = array<i64: 3, 256, 1>}, {transform_indices = @transform_1, window_bounds = array<i64: 3, 256, 2048>}]} {
    %get3A = arith.constant 0 : index
    %get3A_0 = arith.constant 0 : index
    %get3A_1 = arith.constant 0 : index
    %get3A_2 = vector.load %arg1[%get3A, %get3A_0, %get3A_1] : memref<3x256x1xf32, #tpu.memory_space<vmem>>, vector<3x256x1xf32>
    %broadcast_in_dim3A = vector.shape_cast %get3A_2 : vector<3x256x1xf32> to vector<3x256x1xf32>
    %broadcast_in_dim3A_3 = vector.broadcast %broadcast_in_dim3A : vector<3x256x1xf32> to vector<3x256x2048xf32>
    %swap3A = arith.constant 0 : index
    %swap3A_4 = arith.constant 0 : index
    %swap3A_5 = arith.constant 0 : index
    %swap3A_6 = vector.load %arg2[%swap3A, %swap3A_4, %swap3A_5] : memref<3x256x2048xf32, #tpu.memory_space<vmem>>, vector<3x256x2048xf32>
    tpu.vector_store %arg2[%swap3A, %swap3A_4, %swap3A_5], %broadcast_in_dim3A_3 {strides = array<i32>} : memref<3x256x2048xf32, #tpu.memory_space<vmem>>, vector<3x256x2048xf32>,
    return
  }
  func.func @transform_0(%arg0: i32) -> (i32, i32, i32) {
    %c0_i32 = arith.constant 0 : i32
    %c0_i32_0 = arith.constant 0 : i32
    %c0_i32_1 = arith.constant 0 : i32
    return %c0_i32, %arg0, %c0_i32_0 : i32, i32, i32
  }
  func.func @transform_1(%arg0: i32) -> (i32, i32, i32) {
    %c0_i32 = arith.constant 0 : i32
    %c0_i32_0 = arith.constant 0 : i32
    %c0_i32_1 = arith.constant 0 : i32
    return %c0_i32, %arg0, %c0_i32_0 : i32, i32, i32
  }
}

</mosaic_0001>

<sc_bundles>
// kernel: kernel.4.cloned.1.call-start
scs
__scs_entry_jumppad:
0x0: {  	(pc) =	sbr.rel $0x88, $3  }
0x1: {  	(tag) =	ssettag $0x0;
	lr =	simm.s32 $0x1  }
0x2: {  	[smem:$0x3F9F] =	sst lr;
	_ =	strace $0xD0000000  }
0x3: {  	_ = 	snop  }
0x4: {  	_ = 	snop  }
0x5: {  	_ = 	snop  }
0x6: {  	_ = 	snop  }
0x7: {  	_ = 	snop  }
__scs_overlays_trampoline_lowered:
0x8: {  	[smem:$0x3FAE] =	sst s0  }
0x9: {  	[smem:$0x3FAF] =	sst s1  }
0xa: {  	[smem:$0x3FB0] =	sst s2  }
0xb: {  	[smem:$0x3FB1] =	sst s3  }
0xc: {  	[smem:$0x3FB2] =	sst s4  }
0xd: {  	[smem:$0x3FB3] =	sst s5  }
0xe: {  	[smem:$0x3FB4] =	sst s6  }
0xf: {  	[smem:$0x3FB5] =	sst s7  }
0x10: {  	[smem:$0x3FB6] =	sst s8  }
0x11: {  	[smem:$0x3FB7] =	sst s9;
	s0 =	simm.s32 @!p0 $0x0  }
0x12: {  	s1 =	sld [smem:$0x3F9D];
	s0 =	simm.s32 @p0 $0x1  }
0x13: {  	[smem:$0x3FB8] =	sst s0;
	s0 =	simm.s32 @!p1 $0x0  }
0x14: {  	s2 =	sld [smem:$0x3F9C];
	s0 =	simm.s32 @p1 $0x1  }
0x15: {  	[smem:$0x3FB9] =	sst s0;
	s0 =	simm.s32 @!p2 $0x0  }
0x16: {  	s3 =	sld [smem:$0x3FDB];
	s0 =	simm.s32 @p2 $0x1  }
0x17: {  	s4 =	simm.s32 $0x1BF5;
	[smem:$0x3FBB] =	sst s0  }
0x18: {  	s0 =	sld [smem:$0x3F9E];
	_ =	swait.ge [sflag:s4], $0x0  }
0x19: {  	s7 =	sld [smem:$0x3F9F]  }
0x1a: {  	s8 =	sadd.s32 $0xFFFFE003, lr  }
0x1b: {  	s9 =	sadd.s32 $0xFFFFFEF7, lr;
	s5 =	simm.s32 $0xFFFFFFFF;
	p2 =	slt.u32 s8, $0xFFFFF086  }
0x1c: {  	p1 =	slt.u32 s9, $0xF7A;
	s5 =	simm.s32 @!p2 $0x0  }
0x1d: {  	s5 =	simm.s32 @p1 $0x1;
	p0 =	seq.s32 s7, s2  }
0x1e: {  	s7 =	smul.u32 @!p0 $0xF7A, s2;
	p2 =	seq.s32 @!p0 s5, $0x0  }
0x1f: {  	s9 =	smul.u32 $0xF7A, s1;
	s8 =	simm.s32 @!p0 $0x1BF5;
	p2 =	por !p2, p0  }
0x20: {  	[sflag:s8] =	ssyncset.s32 @!p0 $0xFFFFF086;
	s6 =	sadd.s32 @!p0 s3, s7;
	s7 =	simm.s32 @!p0 $0x108  }
0x21: {  	s3 =	sadd.s32 s3, s9;
	s6 =	sadd.s32 @!p0 $0x88, s6;
	s7 =	simm.s32 @p2 $0x1082  }
0x22: {  	[simem:s7], [sflag:s8] =	dma.local @!p0 [hbm:s6], $0xF7A  }
0x23: {  	s9 =	sor.u32 $0xD0000000, s2;
	s6 =	simm.s32 $0x108;
	_ =	swait.ge @!p0 [sflag:s8], $0x0  }
0x24: {  	s3 =	sadd.s32 $0x88, s3;
	s6 =	simm.s32 @!p1 $0x1082;
	[sflag:s4] =	ssyncset.s32 $0xFFFFF086  }
0x25: {  	[simem:s6], [sflag:s4] =	dma.local [hbm:s3], $0xF7A  }
0x26: {  	[smem:$0x3F9F] =	sst s1;
	(tag) =	ssettag s2;
	_ =	strace s9  }
0x27: {  	s1 =	sld [smem:$0x3FAF]  }
0x28: {  	s2 =	sld [smem:$0x3FB0]  }
0x29: {  	s4 =	sld [smem:$0x3FB2]  }
0x2a: {  	p0 =	seq.s32 s5, $0x0;
	s5 =	sld [smem:$0x3FB3]  }
0x2b: {  	s6 =	sld [smem:$0x3FB4]  }
0x2c: {  	s7 =	sld [smem:$0x3FB5]  }
0x2d: {  	s3 =	simm.s32 $0x108;
	s8 =	sld [smem:$0x3FB6]  }
0x2e: {  	s3 =	simm.s32 @!p0 $0x1082;
	s9 =	sld [smem:$0x3FB7]  }
0x2f: {  	lr =	sadd.s32 s0, s3;
	s0 =	sld [smem:$0x3FAE]  }
0x30: {  	s3 =	sld [smem:$0x3FB1]  }
0x31: {  	[smem:$0x3FBA] =	sst s10  }
0x32: {  	s10 =	sld [smem:$0x3FB8];
	_ =	sdelay $0x3  }
0x33: {  	p0 =	seq.s32 s10, $0x1;
	s10 =	sld [smem:$0x3FBA];
	_ =	sdelay $0x3  }
0x34: {  	[smem:$0x3FBA] =	sst s10  }
0x35: {  	s10 =	sld [smem:$0x3FB9];
	_ =	sdelay $0x3  }
0x36: {  	p1 =	seq.s32 s10, $0x1;
	s10 =	sld [smem:$0x3FBA];
	_ =	sdelay $0x3  }
0x37: {  	[smem:$0x3FBA] =	sst s10  }
0x38: {  	s10 =	sld [smem:$0x3FBB]  }
0x39: {  	_ = 	snop;
	(pc) =	sbr.ind lr, $3  }
0x3a: {  	_ = 	snop  }
0x3b: {  	_ = 	snop  }
0x3c: {  	p2 =	seq.s32 s10, $0x1;
	s10 =	sld [smem:$0x3FBA]  }
0x3d: {  	_ =	shalt  }
0x3e: {  	_ =	shalt  }
0x3f: {  	_ =	shalt  }
0x40: {  	_ =	shalt  }
0x41: {  	_ =	shalt  }
0x42: {  	_ =	shalt  }
0x43: {  	_ =	shalt  }
0x44: {  	_ =	shalt  }
0x45: {  	_ =	shalt  }
0x46: {  	_ =	shalt  }
0x47: {  	_ =	shalt  }
0x48: {  	_ =	shalt  }
0x49: {  	_ =	shalt  }
0x4a: {  	_ =	shalt  }
0x4b: {  	_ =	shalt  }
0x4c: {  	_ =	shalt  }
0x4d: {  	_ =	shalt  }
0x4e: {  	_ =	shalt  }
0x4f: {  	_ =	shalt  }
0x50: {  	_ =	shalt  }
0x51: {  	_ =	shalt  }
0x52: {  	_ =	shalt  }
0x53: {  	_ =	shalt  }
0x54: {  	_ =	shalt  }
0x55: {  	_ =	shalt  }
0x56: {  	_ =	shalt  }
0x57: {  	_ =	shalt  }
0x58: {  	_ =	shalt  }
0x59: {  	_ =	shalt  }
0x5a: {  	_ =	shalt  }
0x5b: {  	_ =	shalt  }
0x5c: {  	_ =	shalt  }
0x5d: {  	_ =	shalt  }
0x5e: {  	_ =	shalt  }
0x5f: {  	_ =	shalt  }
0x60: {  	_ =	shalt  }
0x61: {  	_ =	shalt  }
0x62: {  	_ =	shalt  }
0x63: {  	_ =	shalt  }
0x64: {  	_ =	shalt  }
0x65: {  	_ =	shalt  }
0x66: {  	_ =	shalt  }
0x67: {  	_ =	shalt  }
0x68: {  	_ =	shalt  }
0x69: {  	_ =	shalt  }
0x6a: {  	_ =	shalt  }
0x6b: {  	_ =	shalt  }
0x6c: {  	_ =	shalt  }
0x6d: {  	_ =	shalt  }
0x6e: {  	_ =	shalt  }
0x6f: {  	_ =	shalt  }
0x70: {  	_ =	shalt  }
0x71: {  	_ =	shalt  }
0x72: {  	_ =	shalt  }
0x73: {  	_ =	shalt  }
0x74: {  	_ =	shalt  }
0x75: {  	_ =	shalt  }
0x76: {  	_ =	shalt  }
0x77: {  	_ =	shalt  }
0x78: {  	_ =	shalt  }
0x79: {  	_ =	shalt  }
0x7a: {  	_ =	shalt  }
0x7b: {  	_ =	shalt  }
0x7c: {  	_ =	shalt  }
0x7d: {  	_ =	shalt  }
0x7e: {  	_ =	shalt  }
0x7f: {  	_ =	shalt  }
0x80: {  	_ =	shalt  }
0x81: {  	_ =	shalt  }
0x82: {  	_ =	shalt  }
0x83: {  	_ =	shalt  }
0x84: {  	_ =	shalt  }
0x85: {  	_ =	shalt  }
0x86: {  	_ =	shalt  }
0x87: {  	_ =	shalt  }
.Lfunc_end0:
.L_simem_size_0:
called_computation_lowered:
.L_overlay_start_0:
0x88: {  	s2 =	sld [smem:$0x3FD9]  }
0x89: {  	s3 =	sld [smem:$0x3FFE];
	_ =	sdelay $0x1  }
0x8a: {  	s1 =	srdreg.scid  }
0x8b: {  	s0 =	sand.u32 $0x1, s1  }
0x8c: {  	s14 =	sshll.u32 s0, $0xA;
	s2 =	sadd.s32 s3, s2  }
0x8d: {  	s2 =	sadd.s32 s2, s14  }
0x8e: {  	[smem:$0x3FC6] =	sst s2  }
0x8f: {  	_ = 	snop  }
0x90: {  	s2 =	sld [smem:$0x3FD0];
	_ =	sdelay $0x2  }
0x91: {  	s15 =	simm.s32 $0xA;
	s4 =	simm.s32 $0x10  }
0x92: {  	[smem:s4], [sflag:s15] =	dma.local [hbm:s2], $0x1  }
0x93: {  	_ =	swait.eq [sflag:s15], $0x1  }
0x94: {  	[sflag:s15] =	ssyncset.done $0x0  }
0x95: {  	[sflag:s15] =	ssyncadd.s32 $0xFFFFFFFF  }
0x96: {  	s16 =	sld [smem:$0x13];
	(tm) =	ssettm $0x1  }
0x97: {  	s17 =	sld [smem:$0x3FFB];
	_ =	sdelay $0x3  }
0x98: {  	_ =	strace s17  }
0x99: {  	s3 =	sld [smem:$0x3FFC];
	_ =	sdelay $0x3  }
0x9a: {  	_ =	strace s3  }
0x9b: {  	s3 =	sld [smem:$0x3FFD];
	_ =	sdelay $0x3  }
0x9c: {  	_ =	strace s3  }
0x9d: {  	_ =	strace $0x8FFFFFFF  }
0x9e: {  	s18 =	sld [smem:$0x3FDB];
	_ =	sdelay $0x1  }
0x9f: {  	s19 =	simm.s32 $_scs_section_size  }
0xa0: {  	s5 =	simm.s32 $_size__tile_overlayer_lowered;
	s6 =	simm.s32 $_tile_overlayer_lowered  }
0xa1: {  	s22 =	simm.s32 $0x1BFF;
	s21 =	sshll.u32 s6, $0x1;
	s3 =	sadd.s32 s19, s18  }
0xa2: {  	s7 =	simm.s32 $0x0;
	s20 =	sshll.u32 s5, $0x1;
	s5 =	sadd.s32 s21, s3  }
0xa3: {  	[timem:s7], [sflag:s22] =	dma.local [hbm:s5], s20  }
0xa4: {  	_ =	swait.ge [sflag:s22], s20  }
0xa5: {  	s4 =	ssub.s32 $0x0, s20;
	[sflag:s22] =	ssyncset.done $0x0  }
0xa6: {  	[sflag:s22] =	ssyncadd.s32 s4;
	_ =	sdelay $0x1  }
0xa7: {  	s23 =	simm.s32 $0x1B8B  }
0xa8: {  	_ =	swait.ge [sflag:s23], $0x1  }
0xa9: {  	[sflag:s23] =	ssyncset.done $0x0  }
0xaa: {  	s25 =	simm.s32 $0x1B8E;
	s24 =	sld [smem:$0x3FFE];
	[sflag:s23] =	ssyncadd.s32 $0xFFFFFFFF  }
0xab: {  	s26 =	simm.s32 $execute0_lowered;
	[smem:$0x3FD2] =	sst s25  }
0xac: {  	s5 =	sshll.u32 s26, $0x1;
	_ =	strace $0x80000046;
	[dreg:$0x1] =	wrdreg $0xFFFFFFFF  }
0xad: {  	s28 =	simm.s32 $_size_execute0_lowered;
	s3 =	sadd.s32 s3, s5;
	[dreg:$0x0] =	wrdreg $0x0  }
0xae: {  	s5 =	sshll.u32 s28, $0x1;
	[dreg:$0x2] =	wrdreg s3  }
0xaf: {  	[dreg:$0x3] =	wrdreg s5  }
0xb0: {  	[dreg:$0x4] =	wrdreg $0xC0  }
0xb1: {  	_ =	task [dreg:s7], $0x5FFFF  }
0xb2: {  	[dreg:$0x1] =	wrdreg $0xFFFFFFFF  }
0xb3: {  	[dreg:$0x0] =	wrdreg $0x60  }
0xb4: {  	[dreg:$0x2] =	wrdreg s16  }
0xb5: {  	[dreg:$0x3] =	wrdreg s24  }
0xb6: {  	[dreg:$0x4] =	wrdreg $0x9  }
0xb7: {  	_ =	task.clear_ibuf [dreg:s7], $0x5FFFF;
	_ =	strace $0x90000046  }
0xb8: {  	s29 =	simm.s32 $0x9;
	_ =	strace $0x80000048  }
0xb9: {  	_ =	swait.ge [sflag:s29], $0x1  }
0xba: {  	[sflag:s29] =	ssyncadd.s32 $0xFFFFFFFF  }
0xbb: {  	_ =	strace $0x90000048  }
0xbc: {  	_ =	sfence  }
0xbd: {  	s30 =	sld [smem:$0x0];
	_ =	sdelay $0x2  }
0xbe: {  	s31 =	sshll.u32 s1, $0xD;
	s1 =	sshrl.u32 s1, $0x2  }
0xbf: {  	s3 =	sand.u32 $0x4000, s31;
	s1 =	sadd.s32 s1, s30  }
0xc0: {  	s0 =	sor.u32 s3, s0;
	s1 =	sshll.u32 s1, $0x11  }
0xc1: {  	s0 =	sor.u32 s1, s0  }
0xc2: {  	s0 =	sadd.s32 $0x8F2B, s0  }
0xc3: {  	[sflag:s0] =	ssyncadd.remote.s32 $0x1  }
0xc4: {  	_ =	sfence.sel $0xFFFF  }
0xc5: {  	[dreg:$0x0] =	wrdreg $0xFFFFFFFF;
	(pc) =	sbr.abs _section_cstart, $3  }
0xc6: {  	[dreg:$0x1] =	wrdreg $0xFFFFFFFF  }
0xc7: {  	_ =	task.clear_ibuf [dreg:s7], $0x2FFFF;
	_ =	strace $0x9FFFFFFF  }
0xc8: {  	(tm) =	ssettm $0x7FFFFFFF  }
0xc9: {  	_ =	shalt  }
tec
execute0_lowered:
.L_overlay_start_1:
0x0: {  	(tag) =	ssettag $0x1  }
0x1: {  	s20 =	rddreg [dreg:$0x0];
	s0 =	srdreg.scid  }
0x2: {  	s3 =	rddreg [dreg:$0x1];
	s1 =	stileid.u32;
	s0 =	sand.u32 $0x1, s0  }
0x3: {  	s4 =	sshll.u32 s1, $0x10;
	s21 =	sshrl.u32 s1, $0x3;
	s5 =	sshll.u32 s0, $0xF  }
0x4: {  	s2 =	simm.s32 $0x0;
	s24 =	smul.u32 $0x300, s21;
	s4 =	sor.u32 s5, s4  }
0x5: {  	[smem:$0x7FF] =	sst s2;
	s31 =	sadd.s32 s4, s3  }
0x6: {  	_ =	strace $0x80000047;
	s3 =	sadd.s32 s20, s24;
	s4 =	sadd.s32 $0x800, s31  }
0x7: {  	[tilespmem:s2], [sflag:$0x1] =	stream.linear.gather [hbm4b:s3+s2], $0x800, $0x38;
	[tilespmem:$0x8000] =	vst v63  }
0x8: {  	s25 =	sadd.s32 $0x1800, s31;
	[dreg:$0x3] =	wrdreg s4;
	s4 =	simm.s32 $0x800  }
0x9: {  	[tilespmem:s4], [sflag:$0x1] =	stream.linear.gather [hbm4b:s3+s2], $0x800, $0x38;
	[tilespmem:$0x8000] =	vst v63  }
0xa: {  	s5 =	simm.s32 $0x1000;
	s6 =	sadd.s32 $0x2800, s31;
	[dreg:$0x4] =	wrdreg s25  }
0xb: {  	[tilespmem:s5], [sflag:$0x1] =	stream.linear.gather [hbm4b:s3+s2], $0x800, $0x38;
	[tilespmem:$0x8000] =	vst v63  }
0xc: {  	s7 =	sadd.s32 $0x3800, s31;
	[dreg:$0x5] =	wrdreg s6;
	s6 =	simm.s32 $0x1800  }
0xd: {  	[tilespmem:s6], [sflag:$0x1] =	stream.linear.gather [hbm4b:s3+s2], $0x800, $0x38;
	[tilespmem:$0x8000] =	vst v63  }
0xe: {  	s8 =	sadd.s32 $0x4800, s31;
	[dreg:$0x6] =	wrdreg s7;
	s7 =	simm.s32 $0x2000  }
0xf: {  	[tilespmem:s7], [sflag:$0x1] =	stream.linear.gather [hbm4b:s3+s2], $0x800, $0x38;
	[tilespmem:$0x8000] =	vst v63  }
0x10: {  	s9 =	sadd.s32 $0x5800, s31;
	[dreg:$0x7] =	wrdreg s8;
	s8 =	simm.s32 $0x2800  }
0x11: {  	[tilespmem:s8], [sflag:$0x1] =	stream.linear.gather [hbm4b:s3+s2], $0x800, $0x38;
	[tilespmem:$0x8000] =	vst v63  }
0x12: {  	s10 =	sadd.s32 $0x6800, s31;
	[dreg:$0x8] =	wrdreg s9;
	s9 =	simm.s32 $0x3000  }
0x13: {  	[tilespmem:s9], [sflag:$0x1] =	stream.linear.gather [hbm4b:s3+s2], $0x800, $0x38;
	[tilespmem:$0x8000] =	vst v63  }
0x14: {  	s11 =	sadd.s32 $0x7800, s31;
	[dreg:$0x9] =	wrdreg s10;
	s10 =	simm.s32 $0x3800  }
0x15: {  	[tilespmem:s10], [sflag:$0x1] =	stream.linear.gather [hbm4b:s3+s2], $0x800, $0x38;
	[tilespmem:$0x8000] =	vst v63  }
0x16: {  	s12 =	sadd.s32 $0x100800, s31;
	[dreg:$0xa] =	wrdreg s11;
	s11 =	simm.s32 $0x4000  }
0x17: {  	[tilespmem:s11], [sflag:$0x1] =	stream.linear.gather [hbm4b:s3+s2], $0x800, $0x38;
	[tilespmem:$0x8000] =	vst v63  }
0x18: {  	s13 =	sadd.s32 $0x101800, s31;
	[dreg:$0xb] =	wrdreg s12;
	s12 =	simm.s32 $0x4800  }
0x19: {  	[tilespmem:s12], [sflag:$0x1] =	stream.linear.gather [hbm4b:s3+s2], $0x800, $0x38;
	[tilespmem:$0x8000] =	vst v63  }
0x1a: {  	s14 =	sadd.s32 $0x102800, s31;
	[dreg:$0xc] =	wrdreg s13;
	s13 =	simm.s32 $0x5000  }
0x1b: {  	[tilespmem:s13], [sflag:$0x1] =	stream.linear.gather [hbm4b:s3+s2], $0x800, $0x38;
	[tilespmem:$0x8000] =	vst v63  }
0x1c: {  	s15 =	sadd.s32 $0x103800, s31;
	[dreg:$0xd] =	wrdreg s14;
	s14 =	simm.s32 $0x5800  }
0x1d: {  	[tilespmem:s14], [sflag:$0x1] =	stream.linear.gather [hbm4b:s3+s2], $0x800, $0x38;
	[tilespmem:$0x8000] =	vst v63  }
0x1e: {  	s16 =	sadd.s32 $0x104800, s31;
	[dreg:$0xe] =	wrdreg s15;
	s15 =	simm.s32 $0x6000  }
0x1f: {  	[tilespmem:s15], [sflag:$0x1] =	stream.linear.gather [hbm4b:s3+s2], $0x800, $0x38;
	[tilespmem:$0x8000] =	vst v63  }
0x20: {  	s17 =	sadd.s32 $0x105800, s31;
	[dreg:$0xf] =	wrdreg s16;
	s16 =	simm.s32 $0x6800  }
0x21: {  	[tilespmem:s16], [sflag:$0x1] =	stream.linear.gather [hbm4b:s3+s2], $0x800, $0x38;
	[tilespmem:$0x8000] =	vst v63  }
0x22: {  	s18 =	sadd.s32 $0x106800, s31;
	[dreg:$0x10] =	wrdreg s17;
	s17 =	simm.s32 $0x7000  }
0x23: {  	[tilespmem:s17], [sflag:$0x1] =	stream.linear.gather [hbm4b:s3+s2], $0x800, $0x38;
	[tilespmem:$0x8000] =	vst v63  }
0x24: {  	s19 =	simm.s32 $0x7800;
	[dreg:$0x11] =	wrdreg s18;
	s18 =	simm.s32 $0x1  }
0x25: {  	[tilespmem:s19], [sflag:$0x1] =	stream.linear.gather [hbm4b:s3+s2], $0x800, $0x38;
	[tilespmem:$0x8000] =	vst v63  }
0x26: {  	_ =	swait.ge [sflag:s18], $0x800  }
0x27: {  	[sflag:s18] =	ssyncset.done $0x0  }
0x28: {  	[sflag:s18] =	ssyncadd.s32 $0xFFFFF800  }
0x29: {  	_ =	swait.ge [sflag:s18], $0x800  }
0x2a: {  	[sflag:s18] =	ssyncset.done $0x0  }
0x2b: {  	[sflag:s18] =	ssyncadd.s32 $0xFFFFF800  }
0x2c: {  	_ =	swait.ge [sflag:s18], $0x800  }
0x2d: {  	[sflag:s18] =	ssyncset.done $0x0  }
0x2e: {  	[sflag:s18] =	ssyncadd.s32 $0xFFFFF800  }
0x2f: {  	_ =	swait.ge [sflag:s18], $0x800  }
0x30: {  	[sflag:s18] =	ssyncset.done $0x0  }
0x31: {  	[sflag:s18] =	ssyncadd.s32 $0xFFFFF800  }
0x32: {  	_ =	swait.ge [sflag:s18], $0x800  }
0x33: {  	[sflag:s18] =	ssyncset.done $0x0  }
0x34: {  	[sflag:s18] =	ssyncadd.s32 $0xFFFFF800  }
0x35: {  	_ =	swait.ge [sflag:s18], $0x800  }
0x36: {  	[sflag:s18] =	ssyncset.done $0x0  }
0x37: {  	[sflag:s18] =	ssyncadd.s32 $0xFFFFF800  }
0x38: {  	_ =	swait.ge [sflag:s18], $0x800  }
0x39: {  	[sflag:s18] =	ssyncset.done $0x0  }
0x3a: {  	[sflag:s18] =	ssyncadd.s32 $0xFFFFF800  }
0x3b: {  	_ =	swait.ge [sflag:s18], $0x800  }
0x3c: {  	[sflag:s18] =	ssyncset.done $0x0  }
0x3d: {  	[sflag:s18] =	ssyncadd.s32 $0xFFFFF800  }
0x3e: {  	_ =	swait.ge [sflag:s18], $0x800  }
0x3f: {  	[sflag:s18] =	ssyncset.done $0x0  }
0x40: {  	[sflag:s18] =	ssyncadd.s32 $0xFFFFF800  }
0x41: {  	_ =	swait.ge [sflag:s18], $0x800  }
0x42: {  	[sflag:s18] =	ssyncset.done $0x0  }
0x43: {  	[sflag:s18] =	ssyncadd.s32 $0xFFFFF800  }
0x44: {  	_ =	swait.ge [sflag:s18], $0x800  }
0x45: {  	[sflag:s18] =	ssyncset.done $0x0  }
0x46: {  	[sflag:s18] =	ssyncadd.s32 $0xFFFFF800  }
0x47: {  	_ =	swait.ge [sflag:s18], $0x800  }
0x48: {  	[sflag:s18] =	ssyncset.done $0x0  }
0x49: {  	[sflag:s18] =	ssyncadd.s32 $0xFFFFF800  }
0x4a: {  	_ =	swait.ge [sflag:s18], $0x800  }
0x4b: {  	[sflag:s18] =	ssyncset.done $0x0  }
0x4c: {  	[sflag:s18] =	ssyncadd.s32 $0xFFFFF800  }
0x4d: {  	_ =	swait.ge [sflag:s18], $0x800  }
0x4e: {  	[sflag:s18] =	ssyncset.done $0x0  }
0x4f: {  	[sflag:s18] =	ssyncadd.s32 $0xFFFFF800  }
0x50: {  	_ =	swait.ge [sflag:s18], $0x800  }
0x51: {  	[sflag:s18] =	ssyncset.done $0x0  }
0x52: {  	[sflag:s18] =	ssyncadd.s32 $0xFFFFF800  }
0x53: {  	_ =	swait.ge [sflag:s18], $0x800  }
0x54: {  	[sflag:s18] =	ssyncset.done $0x0  }
0x55: {  	s22 =	rddreg [dreg:$0x3];
	[sflag:s18] =	ssyncadd.s32 $0xFFFFF800  }
0x56: {  	[hbm4b:s22+s2] =	stream.linear.scatter [tilespmem:s2], [sflag:$0x1], $0x8000, $0x38;
	[tilespmem:$0x8000] =	vst v63  }
0x57: {  	s23 =	rddreg [dreg:$0x4]  }
0x58: {  	[hbm4b:s23+s2] =	stream.linear.scatter [tilespmem:s2], [sflag:$0x1], $0x8000, $0x38;
	[tilespmem:$0x8000] =	vst v63  }
0x59: {  	s26 =	rddreg [dreg:$0x5]  }
0x5a: {  	[hbm4b:s26+s2] =	stream.linear.scatter [tilespmem:s2], [sflag:$0x1], $0x8000, $0x38;
	[tilespmem:$0x8000] =	vst v63  }
0x5b: {  	s1 =	rddreg [dreg:$0x6]  }
0x5c: {  	[hbm4b:s1+s2] =	stream.linear.scatter [tilespmem:s2], [sflag:$0x1], $0x8000, $0x38;
	[tilespmem:$0x8000] =	vst v63  }
0x5d: {  	s24 =	rddreg [dreg:$0x7]  }
0x5e: {  	[hbm4b:s24+s2] =	stream.linear.scatter [tilespmem:s2], [sflag:$0x1], $0x8000, $0x38;
	[tilespmem:$0x8000] =	vst v63  }
0x5f: {  	s25 =	rddreg [dreg:$0x8]  }
0x60: {  	[hbm4b:s25+s2] =	stream.linear.scatter [tilespmem:s2], [sflag:$0x1], $0x8000, $0x38;
	[tilespmem:$0x8000] =	vst v63  }
0x61: {  	s26 =	rddreg [dreg:$0x9]  }
0x62: {  	[hbm4b:s26+s2] =	stream.linear.scatter [tilespmem:s2], [sflag:$0x1], $0x8000, $0x38;
	[tilespmem:$0x8000] =	vst v63  }
0x63: {  	s1 =	rddreg [dreg:$0xa]  }
0x64: {  	[hbm4b:s1+s2] =	stream.linear.scatter [tilespmem:s2], [sflag:$0x1], $0x8000, $0x38;
	[tilespmem:$0x8000] =	vst v63  }
0x65: {  	_ =	swait.ge [sflag:s18], $0x8000  }
0x66: {  	[sflag:s18] =	ssyncset.done $0x0  }
0x67: {  	[sflag:s18] =	ssyncadd.s32 $0xFFFF8000  }
0x68: {  	_ =	swait.ge [sflag:s18], $0x8000  }
0x69: {  	[sflag:s18] =	ssyncset.done $0x0  }
0x6a: {  	[sflag:s18] =	ssyncadd.s32 $0xFFFF8000  }
0x6b: {  	_ =	swait.ge [sflag:s18], $0x8000  }
0x6c: {  	[sflag:s18] =	ssyncset.done $0x0  }
0x6d: {  	[sflag:s18] =	ssyncadd.s32 $0xFFFF8000  }
0x6e: {  	_ =	swait.ge [sflag:s18], $0x8000  }
0x6f: {  	[sflag:s18] =	ssyncset.done $0x0  }
0x70: {  	[sflag:s18] =	ssyncadd.s32 $0xFFFF8000  }
0x71: {  	_ =	swait.ge [sflag:s18], $0x8000  }
0x72: {  	[sflag:s18] =	ssyncset.done $0x0  }
0x73: {  	[sflag:s18] =	ssyncadd.s32 $0xFFFF8000  }
0x74: {  	_ =	swait.ge [sflag:s18], $0x8000  }
0x75: {  	[sflag:s18] =	ssyncset.done $0x0  }
0x76: {  	[sflag:s18] =	ssyncadd.s32 $0xFFFF8000  }
0x77: {  	_ =	swait.ge [sflag:s18], $0x8000  }
0x78: {  	s21 =	smul.u32 $0x1800, s21;
	[sflag:s18] =	ssyncset.done $0x0  }
0x79: {  	[sflag:s18] =	ssyncadd.s32 $0xFFFF8000  }
0x7a: {  	s21 =	sshrl.u32 s21, $0x3;
	_ =	swait.ge [sflag:s18], $0x8000  }
0x7b: {  	s22 =	sadd.s32 s20, s21;
	[sflag:s18] =	ssyncset.done $0x0  }
0x7c: {  	s20 =	sadd.s32 $0x100, s22;
	[sflag:s18] =	ssyncadd.s32 $0xFFFF8000  }
0x7d: {  	[tilespmem:s2], [sflag:$0x1] =	stream.linear.gather [hbm4b:s20+s2], $0x800, $0x38;
	[tilespmem:$0x8000] =	vst v63  }
0x7e: {  	_ = 	snop  }
0x7f: {  	[tilespmem:s4], [sflag:$0x1] =	stream.linear.gather [hbm4b:s20+s2], $0x800, $0x38;
	[tilespmem:$0x8000] =	vst v63  }
0x80: {  	_ = 	snop  }
0x81: {  	[tilespmem:s5], [sflag:$0x1] =	stream.linear.gather [hbm4b:s20+s2], $0x800, $0x38;
	[tilespmem:$0x8000] =	vst v63  }
0x82: {  	_ = 	snop  }
0x83: {  	[tilespmem:s6], [sflag:$0x1] =	stream.linear.gather [hbm4b:s20+s2], $0x800, $0x38;
	[tilespmem:$0x8000] =	vst v63  }
0x84: {  	_ = 	snop  }
0x85: {  	[tilespmem:s7], [sflag:$0x1] =	stream.linear.gather [hbm4b:s20+s2], $0x800, $0x38;
	[tilespmem:$0x8000] =	vst v63  }
0x86: {  	_ = 	snop  }
0x87: {  	[tilespmem:s8], [sflag:$0x1] =	stream.linear.gather [hbm4b:s20+s2], $0x800, $0x38;
	[tilespmem:$0x8000] =	vst v63  }
0x88: {  	_ = 	snop  }
0x89: {  	[tilespmem:s9], [sflag:$0x1] =	stream.linear.gather [hbm4b:s20+s2], $0x800, $0x38;
	[tilespmem:$0x8000] =	vst v63  }
0x8a: {  	_ = 	snop  }
0x8b: {  	[tilespmem:s10], [sflag:$0x1] =	stream.linear.gather [hbm4b:s20+s2], $0x800, $0x38;
	[tilespmem:$0x8000] =	vst v63  }
0x8c: {  	_ = 	snop  }
0x8d: {  	[tilespmem:s11], [sflag:$0x1] =	stream.linear.gather [hbm4b:s20+s2], $0x800, $0x38;
	[tilespmem:$0x8000] =	vst v63  }
0x8e: {  	_ = 	snop  }
0x8f: {  	[tilespmem:s12], [sflag:$0x1] =	stream.linear.gather [hbm4b:s20+s2], $0x800, $0x38;
	[tilespmem:$0x8000] =	vst v63  }
0x90: {  	_ = 	snop  }
0x91: {  	[tilespmem:s13], [sflag:$0x1] =	stream.linear.gather [hbm4b:s20+s2], $0x800, $0x38;
	[tilespmem:$0x8000] =	vst v63  }
0x92: {  	_ = 	snop  }
0x93: {  	[tilespmem:s14], [sflag:$0x1] =	stream.linear.gather [hbm4b:s20+s2], $0x800, $0x38;
	[tilespmem:$0x8000] =	vst v63  }
0x94: {  	_ = 	snop  }
0x95: {  	[tilespmem:s15], [sflag:$0x1] =	stream.linear.gather [hbm4b:s20+s2], $0x800, $0x38;
	[tilespmem:$0x8000] =	vst v63  }
0x96: {  	_ = 	snop  }
0x97: {  	[tilespmem:s16], [sflag:$0x1] =	stream.linear.gather [hbm4b:s20+s2], $0x800, $0x38;
	[tilespmem:$0x8000] =	vst v63  }
0x98: {  	_ = 	snop  }
0x99: {  	[tilespmem:s17], [sflag:$0x1] =	stream.linear.gather [hbm4b:s20+s2], $0x800, $0x38;
	[tilespmem:$0x8000] =	vst v63  }
0x9a: {  	_ = 	snop  }
0x9b: {  	[tilespmem:s19], [sflag:$0x1] =	stream.linear.gather [hbm4b:s20+s2], $0x800, $0x38;
	[tilespmem:$0x8000] =	vst v63  }
0x9c: {  	_ =	swait.ge [sflag:s18], $0x800  }
0x9d: {  	[sflag:s18] =	ssyncset.done $0x0  }
0x9e: {  	[sflag:s18] =	ssyncadd.s32 $0xFFFFF800  }
0x9f: {  	_ =	swait.ge [sflag:s18], $0x800  }
0xa0: {  	[sflag:s18] =	ssyncset.done $0x0  }
0xa1: {  	[sflag:s18] =	ssyncadd.s32 $0xFFFFF800  }
0xa2: {  	_ =	swait.ge [sflag:s18], $0x800  }
0xa3: {  	[sflag:s18] =	ssyncset.done $0x0  }
0xa4: {  	[sflag:s18] =	ssyncadd.s32 $0xFFFFF800  }
0xa5: {  	_ =	swait.ge [sflag:s18], $0x800  }
0xa6: {  	[sflag:s18] =	ssyncset.done $0x0  }
0xa7: {  	[sflag:s18] =	ssyncadd.s32 $0xFFFFF800  }
0xa8: {  	_ =	swait.ge [sflag:s18], $0x800  }
0xa9: {  	[sflag:s18] =	ssyncset.done $0x0  }
0xaa: {  	[sflag:s18] =	ssyncadd.s32 $0xFFFFF800  }
0xab: {  	_ =	swait.ge [sflag:s18], $0x800  }
0xac: {  	[sflag:s18] =	ssyncset.done $0x0  }
0xad: {  	[sflag:s18] =	ssyncadd.s32 $0xFFFFF800  }
0xae: {  	_ =	swait.ge [sflag:s18], $0x800  }
0xaf: {  	[sflag:s18] =	ssyncset.done $0x0  }
0xb0: {  	[sflag:s18] =	ssyncadd.s32 $0xFFFFF800  }
0xb1: {  	_ =	swait.ge [sflag:s18], $0x800  }
0xb2: {  	[sflag:s18] =	ssyncset.done $0x0  }
0xb3: {  	[sflag:s18] =	ssyncadd.s32 $0xFFFFF800  }
0xb4: {  	_ =	swait.ge [sflag:s18], $0x800  }
0xb5: {  	[sflag:s18] =	ssyncset.done $0x0  }
0xb6: {  	[sflag:s18] =	ssyncadd.s32 $0xFFFFF800  }
0xb7: {  	_ =	swait.ge [sflag:s18], $0x800  }
0xb8: {  	[sflag:s18] =	ssyncset.done $0x0  }
0xb9: {  	[sflag:s18] =	ssyncadd.s32 $0xFFFFF800  }
0xba: {  	_ =	swait.ge [sflag:s18], $0x800  }
0xbb: {  	[sflag:s18] =	ssyncset.done $0x0  }
0xbc: {  	[sflag:s18] =	ssyncadd.s32 $0xFFFFF800  }
0xbd: {  	_ =	swait.ge [sflag:s18], $0x800  }
0xbe: {  	[sflag:s18] =	ssyncset.done $0x0  }
0xbf: {  	[sflag:s18] =	ssyncadd.s32 $0xFFFFF800  }
0xc0: {  	_ =	swait.ge [sflag:s18], $0x800  }
0xc1: {  	[sflag:s18] =	ssyncset.done $0x0  }
0xc2: {  	[sflag:s18] =	ssyncadd.s32 $0xFFFFF800  }
0xc3: {  	_ =	swait.ge [sflag:s18], $0x800  }
0xc4: {  	[sflag:s18] =	ssyncset.done $0x0  }
0xc5: {  	[sflag:s18] =	ssyncadd.s32 $0xFFFFF800  }
0xc6: {  	_ =	swait.ge [sflag:s18], $0x800  }
0xc7: {  	[sflag:s18] =	ssyncset.done $0x0  }
0xc8: {  	[sflag:s18] =	ssyncadd.s32 $0xFFFFF800  }
0xc9: {  	_ =	swait.ge [sflag:s18], $0x800  }
0xca: {  	[sflag:s18] =	ssyncset.done $0x0  }
0xcb: {  	s23 =	rddreg [dreg:$0xb];
	[sflag:s18] =	ssyncadd.s32 $0xFFFFF800  }
0xcc: {  	[hbm4b:s23+s2] =	stream.linear.scatter [tilespmem:s2], [sflag:$0x1], $0x8000, $0x38;
	[tilespmem:$0x8000] =	vst v63  }
0xcd: {  	s24 =	rddreg [dreg:$0xc]  }
0xce: {  	[hbm4b:s24+s2] =	stream.linear.scatter [tilespmem:s2], [sflag:$0x1], $0x8000, $0x38;
	[tilespmem:$0x8000] =	vst v63  }
0xcf: {  	s25 =	rddreg [dreg:$0xd]  }
0xd0: {  	[hbm4b:s25+s2] =	stream.linear.scatter [tilespmem:s2], [sflag:$0x1], $0x8000, $0x38;
	[tilespmem:$0x8000] =	vst v63  }
0xd1: {  	s26 =	rddreg [dreg:$0xe]  }
0xd2: {  	[hbm4b:s26+s2] =	stream.linear.scatter [tilespmem:s2], [sflag:$0x1], $0x8000, $0x38;
	[tilespmem:$0x8000] =	vst v63  }
0xd3: {  	s1 =	rddreg [dreg:$0xf]  }
0xd4: {  	[hbm4b:s1+s2] =	stream.linear.scatter [tilespmem:s2], [sflag:$0x1], $0x8000, $0x38;
	[tilespmem:$0x8000] =	vst v63  }
0xd5: {  	s24 =	rddreg [dreg:$0x10]  }
0xd6: {  	[hbm4b:s24+s2] =	stream.linear.scatter [tilespmem:s2], [sflag:$0x1], $0x8000, $0x38;
	[tilespmem:$0x8000] =	vst v63  }
0xd7: {  	s25 =	rddreg [dreg:$0x11];
	s26 =	sadd.s32 $0x107800, s31  }
0xd8: {  	[hbm4b:s25+s2] =	stream.linear.scatter [tilespmem:s2], [sflag:$0x1], $0x8000, $0x38;
	[tilespmem:$0x8000] =	vst v63  }
0xd9: {  	[dreg:$0x12] =	wrdreg s26  }
0xda: {  	[hbm4b:s26+s2] =	stream.linear.scatter [tilespmem:s2], [sflag:$0x1], $0x8000, $0x38;
	[tilespmem:$0x8000] =	vst v63  }
0xdb: {  	_ =	swait.ge [sflag:s18], $0x8000  }
0xdc: {  	[sflag:s18] =	ssyncset.done $0x0  }
0xdd: {  	[sflag:s18] =	ssyncadd.s32 $0xFFFF8000  }
0xde: {  	_ =	swait.ge [sflag:s18], $0x8000  }
0xdf: {  	[sflag:s18] =	ssyncset.done $0x0  }
0xe0: {  	[sflag:s18] =	ssyncadd.s32 $0xFFFF8000  }
0xe1: {  	_ =	swait.ge [sflag:s18], $0x8000  }
0xe2: {  	[sflag:s18] =	ssyncset.done $0x0  }
0xe3: {  	[sflag:s18] =	ssyncadd.s32 $0xFFFF8000  }
0xe4: {  	_ =	swait.ge [sflag:s18], $0x8000  }
0xe5: {  	[sflag:s18] =	ssyncset.done $0x0  }
0xe6: {  	[sflag:s18] =	ssyncadd.s32 $0xFFFF8000  }
0xe7: {  	_ =	swait.ge [sflag:s18], $0x8000  }
0xe8: {  	[sflag:s18] =	ssyncset.done $0x0  }
0xe9: {  	[sflag:s18] =	ssyncadd.s32 $0xFFFF8000  }
0xea: {  	_ =	swait.ge [sflag:s18], $0x8000  }
0xeb: {  	[sflag:s18] =	ssyncset.done $0x0  }
0xec: {  	[sflag:s18] =	ssyncadd.s32 $0xFFFF8000  }
0xed: {  	_ =	swait.ge [sflag:s18], $0x8000  }
0xee: {  	[sflag:s18] =	ssyncset.done $0x0  }
0xef: {  	[sflag:s18] =	ssyncadd.s32 $0xFFFF8000  }
0xf0: {  	_ =	swait.ge [sflag:s18], $0x8000  }
0xf1: {  	[sflag:s18] =	ssyncset.done $0x0  }
0xf2: {  	s22 =	sadd.s32 $0x200, s22;
	[sflag:s18] =	ssyncadd.s32 $0xFFFF8000  }
0xf3: {  	[tilespmem:s2], [sflag:$0x1] =	stream.linear.gather [hbm4b:s22+s2], $0x800, $0x38;
	[tilespmem:$0x8000] =	vst v63  }
0xf4: {  	_ = 	snop  }
0xf5: {  	[tilespmem:s4], [sflag:$0x1] =	stream.linear.gather [hbm4b:s22+s2], $0x800, $0x38;
	[tilespmem:$0x8000] =	vst v63  }
0xf6: {  	_ = 	snop  }
0xf7: {  	[tilespmem:s5], [sflag:$0x1] =	stream.linear.gather [hbm4b:s22+s2], $0x800, $0x38;
	[tilespmem:$0x8000] =	vst v63  }
0xf8: {  	_ = 	snop  }
0xf9: {  	[tilespmem:s6], [sflag:$0x1] =	stream.linear.gather [hbm4b:s22+s2], $0x800, $0x38;
	[tilespmem:$0x8000] =	vst v63  }
0xfa: {  	_ = 	snop  }
0xfb: {  	[tilespmem:s7], [sflag:$0x1] =	stream.linear.gather [hbm4b:s22+s2], $0x800, $0x38;
	[tilespmem:$0x8000] =	vst v63  }
0xfc: {  	_ = 	snop  }
0xfd: {  	[tilespmem:s8], [sflag:$0x1] =	stream.linear.gather [hbm4b:s22+s2], $0x800, $0x38;
	[tilespmem:$0x8000] =	vst v63  }
0xfe: {  	_ = 	snop  }
0xff: {  	[tilespmem:s9], [sflag:$0x1] =	stream.linear.gather [hbm4b:s22+s2], $0x800, $0x38;
	[tilespmem:$0x8000] =	vst v63  }
0x100: {  	_ = 	snop  }
0x101: {  	[tilespmem:s10], [sflag:$0x1] =	stream.linear.gather [hbm4b:s22+s2], $0x800, $0x38;
	[tilespmem:$0x8000] =	vst v63  }
0x102: {  	_ = 	snop  }
0x103: {  	[tilespmem:s11], [sflag:$0x1] =	stream.linear.gather [hbm4b:s22+s2], $0x800, $0x38;
	[tilespmem:$0x8000] =	vst v63  }
0x104: {  	_ = 	snop  }
0x105: {  	[tilespmem:s12], [sflag:$0x1] =	stream.linear.gather [hbm4b:s22+s2], $0x800, $0x38;
	[tilespmem:$0x8000] =	vst v63  }
0x106: {  	_ = 	snop  }
0x107: {  	[tilespmem:s13], [sflag:$0x1] =	stream.linear.gather [hbm4b:s22+s2], $0x800, $0x38;
	[tilespmem:$0x8000] =	vst v63  }
0x108: {  	_ = 	snop  }
0x109: {  	[tilespmem:s14], [sflag:$0x1] =	stream.linear.gather [hbm4b:s22+s2], $0x800, $0x38;
	[tilespmem:$0x8000] =	vst v63  }
0x10a: {  	_ = 	snop  }
0x10b: {  	[tilespmem:s15], [sflag:$0x1] =	stream.linear.gather [hbm4b:s22+s2], $0x800, $0x38;
	[tilespmem:$0x8000] =	vst v63  }
0x10c: {  	_ = 	snop  }
0x10d: {  	[tilespmem:s16], [sflag:$0x1] =	stream.linear.gather [hbm4b:s22+s2], $0x800, $0x38;
	[tilespmem:$0x8000] =	vst v63  }
0x10e: {  	_ = 	snop  }
0x10f: {  	[tilespmem:s17], [sflag:$0x1] =	stream.linear.gather [hbm4b:s22+s2], $0x800, $0x38;
	[tilespmem:$0x8000] =	vst v63  }
0x110: {  	_ = 	snop  }
0x111: {  	[tilespmem:s19], [sflag:$0x1] =	stream.linear.gather [hbm4b:s22+s2], $0x800, $0x38;
	[tilespmem:$0x8000] =	vst v63  }
0x112: {  	_ =	swait.ge [sflag:s18], $0x800  }
0x113: {  	[sflag:s18] =	ssyncset.done $0x0  }
0x114: {  	[sflag:s18] =	ssyncadd.s32 $0xFFFFF800  }
0x115: {  	_ =	swait.ge [sflag:s18], $0x800  }
0x116: {  	[sflag:s18] =	ssyncset.done $0x0  }
0x117: {  	[sflag:s18] =	ssyncadd.s32 $0xFFFFF800  }
0x118: {  	_ =	swait.ge [sflag:s18], $0x800  }
0x119: {  	[sflag:s18] =	ssyncset.done $0x0  }
0x11a: {  	[sflag:s18] =	ssyncadd.s32 $0xFFFFF800  }
0x11b: {  	_ =	swait.ge [sflag:s18], $0x800  }
0x11c: {  	[sflag:s18] =	ssyncset.done $0x0  }
0x11d: {  	[sflag:s18] =	ssyncadd.s32 $0xFFFFF800  }
0x11e: {  	_ =	swait.ge [sflag:s18], $0x800  }
0x11f: {  	[sflag:s18] =	ssyncset.done $0x0  }
0x120: {  	[sflag:s18] =	ssyncadd.s32 $0xFFFFF800  }
0x121: {  	_ =	swait.ge [sflag:s18], $0x800  }
0x122: {  	[sflag:s18] =	ssyncset.done $0x0  }
0x123: {  	[sflag:s18] =	ssyncadd.s32 $0xFFFFF800  }
0x124: {  	_ =	swait.ge [sflag:s18], $0x800  }
0x125: {  	[sflag:s18] =	ssyncset.done $0x0  }
0x126: {  	[sflag:s18] =	ssyncadd.s32 $0xFFFFF800  }
0x127: {  	_ =	swait.ge [sflag:s18], $0x800  }
0x128: {  	[sflag:s18] =	ssyncset.done $0x0  }
0x129: {  	[sflag:s18] =	ssyncadd.s32 $0xFFFFF800  }
0x12a: {  	_ =	swait.ge [sflag:s18], $0x800  }
0x12b: {  	[sflag:s18] =	ssyncset.done $0x0  }
0x12c: {  	[sflag:s18] =	ssyncadd.s32 $0xFFFFF800  }
0x12d: {  	_ =	swait.ge [sflag:s18], $0x800  }
0x12e: {  	[sflag:s18] =	ssyncset.done $0x0  }
0x12f: {  	[sflag:s18] =	ssyncadd.s32 $0xFFFFF800  }
0x130: {  	_ =	swait.ge [sflag:s18], $0x800  }
0x131: {  	[sflag:s18] =	ssyncset.done $0x0  }
0x132: {  	[sflag:s18] =	ssyncadd.s32 $0xFFFFF800  }
0x133: {  	_ =	swait.ge [sflag:s18], $0x800  }
0x134: {  	[sflag:s18] =	ssyncset.done $0x0  }
0x135: {  	[sflag:s18] =	ssyncadd.s32 $0xFFFFF800  }
0x136: {  	_ =	swait.ge [sflag:s18], $0x800  }
0x137: {  	[sflag:s18] =	ssyncset.done $0x0  }
0x138: {  	[sflag:s18] =	ssyncadd.s32 $0xFFFFF800  }
0x139: {  	_ =	swait.ge [sflag:s18], $0x800  }
0x13a: {  	[sflag:s18] =	ssyncset.done $0x0  }
0x13b: {  	[sflag:s18] =	ssyncadd.s32 $0xFFFFF800  }
0x13c: {  	_ =	swait.ge [sflag:s18], $0x800  }
0x13d: {  	[sflag:s18] =	ssyncset.done $0x0  }
0x13e: {  	[sflag:s18] =	ssyncadd.s32 $0xFFFFF800  }
0x13f: {  	_ =	swait.ge [sflag:s18], $0x800  }
0x140: {  	[sflag:s18] =	ssyncset.done $0x0  }
0x141: {  	s23 =	sadd.s32 $0x200800, s31;
	[sflag:s18] =	ssyncadd.s32 $0xFFFFF800  }
0x142: {  	[hbm4b:s23+s2] =	stream.linear.scatter [tilespmem:s2], [sflag:$0x1], $0x8000, $0x38;
	[tilespmem:$0x8000] =	vst v63  }
0x143: {  	s24 =	sadd.s32 $0x201800, s31  }
0x144: {  	[hbm4b:s24+s2] =	stream.linear.scatter [tilespmem:s2], [sflag:$0x1], $0x8000, $0x38;
	[tilespmem:$0x8000] =	vst v63  }
0x145: {  	s25 =	sadd.s32 $0x202800, s31  }
0x146: {  	[hbm4b:s25+s2] =	stream.linear.scatter [tilespmem:s2], [sflag:$0x1], $0x8000, $0x38;
	[tilespmem:$0x8000] =	vst v63  }
0x147: {  	s26 =	sadd.s32 $0x203800, s31  }
0x148: {  	[hbm4b:s26+s2] =	stream.linear.scatter [tilespmem:s2], [sflag:$0x1], $0x8000, $0x38;
	[tilespmem:$0x8000] =	vst v63  }
0x149: {  	s28 =	sadd.s32 $0x204800, s31  }
0x14a: {  	[hbm4b:s28+s2] =	stream.linear.scatter [tilespmem:s2], [sflag:$0x1], $0x8000, $0x38;
	[tilespmem:$0x8000] =	vst v63  }
0x14b: {  	s29 =	sadd.s32 $0x205800, s31  }
0x14c: {  	[hbm4b:s29+s2] =	stream.linear.scatter [tilespmem:s2], [sflag:$0x1], $0x8000, $0x38;
	[tilespmem:$0x8000] =	vst v63  }
0x14d: {  	s30 =	sadd.s32 $0x206800, s31  }
0x14e: {  	[hbm4b:s30+s2] =	stream.linear.scatter [tilespmem:s2], [sflag:$0x1], $0x8000, $0x38;
	[tilespmem:$0x8000] =	vst v63  }
0x14f: {  	s31 =	sadd.s32 $0x207800, s31  }
0x150: {  	[hbm4b:s31+s2] =	stream.linear.scatter [tilespmem:s2], [sflag:$0x1], $0x8000, $0x38;
	[tilespmem:$0x8000] =	vst v63  }
0x151: {  	_ =	swait.ge [sflag:s18], $0x8000  }
0x152: {  	[sflag:s18] =	ssyncset.done $0x0  }
0x153: {  	[sflag:s18] =	ssyncadd.s32 $0xFFFF8000  }
0x154: {  	_ =	swait.ge [sflag:s18], $0x8000  }
0x155: {  	[sflag:s18] =	ssyncset.done $0x0  }
0x156: {  	[sflag:s18] =	ssyncadd.s32 $0xFFFF8000  }
0x157: {  	_ =	swait.ge [sflag:s18], $0x8000  }
0x158: {  	[sflag:s18] =	ssyncset.done $0x0  }
0x159: {  	[sflag:s18] =	ssyncadd.s32 $0xFFFF8000  }
0x15a: {  	_ =	swait.ge [sflag:s18], $0x8000  }
0x15b: {  	[sflag:s18] =	ssyncset.done $0x0  }
0x15c: {  	[sflag:s18] =	ssyncadd.s32 $0xFFFF8000  }
0x15d: {  	_ =	swait.ge [sflag:s18], $0x8000  }
0x15e: {  	s0 =	ssub.s32 $0x2, s0;
	[sflag:s18] =	ssyncset.done $0x0  }
0x15f: {  	s21 =	sshrl.u32 s0, $0x1;
	[sflag:s18] =	ssyncadd.s32 $0xFFFF8000  }
0x160: {  	s0 =	ssub.s32 s0, s21;
	_ =	swait.ge [sflag:s18], $0x8000  }
0x161: {  	s0 =	smax.u32 s0, $0x1;
	[sflag:s18] =	ssyncset.done $0x0  }
0x162: {  	p0 =	sne.s32 s0, $0x1;
	[sflag:s18] =	ssyncadd.s32 $0xFFFF8000  }
.Ltmp0:
0x163: {  	_ =	swait.ge [sflag:s18], $0x8000;
	(pc) =	sbr.rel @!p0 .LBB2_2-.Ltmp0, $4  }
0x164: {  	[sflag:s18] =	ssyncset.done $0x0  }
0x165: {  	[sflag:s18] =	ssyncadd.s32 $0xFFFF8000  }
0x166: {  	_ =	swait.ge [sflag:s18], $0x8000  }
0x167: {  	s0 =	sadd.s32 $0xFFFFFFFF, s0;
	[sflag:s18] =	ssyncset.done $0x0  }
.LBB2_1:
0x168: {  	[sflag:s18] =	ssyncadd.s32 $0xFFFF8000  }
0x169: {  	[tilespmem:s2], [sflag:$0x1] =	stream.linear.gather [hbm4b:s3+s2], $0x800, $0x38;
	[tilespmem:$0x8000] =	vst v63  }
0x16a: {  	_ = 	snop  }
0x16b: {  	[tilespmem:s4], [sflag:$0x1] =	stream.linear.gather [hbm4b:s3+s2], $0x800, $0x38;
	[tilespmem:$0x8000] =	vst v63  }
0x16c: {  	_ = 	snop  }
0x16d: {  	[tilespmem:s5], [sflag:$0x1] =	stream.linear.gather [hbm4b:s3+s2], $0x800, $0x38;
	[tilespmem:$0x8000] =	vst v63  }
0x16e: {  	_ = 	snop  }
0x16f: {  	[tilespmem:s6], [sflag:$0x1] =	stream.linear.gather [hbm4b:s3+s2], $0x800, $0x38;
	[tilespmem:$0x8000] =	vst v63  }
0x170: {  	_ = 	snop  }
0x171: {  	[tilespmem:s7], [sflag:$0x1] =	stream.linear.gather [hbm4b:s3+s2], $0x800, $0x38;
	[tilespmem:$0x8000] =	vst v63  }
0x172: {  	_ = 	snop  }
0x173: {  	[tilespmem:s8], [sflag:$0x1] =	stream.linear.gather [hbm4b:s3+s2], $0x800, $0x38;
	[tilespmem:$0x8000] =	vst v63  }
0x174: {  	_ = 	snop  }
0x175: {  	[tilespmem:s9], [sflag:$0x1] =	stream.linear.gather [hbm4b:s3+s2], $0x800, $0x38;
	[tilespmem:$0x8000] =	vst v63  }
0x176: {  	_ = 	snop  }
0x177: {  	[tilespmem:s10], [sflag:$0x1] =	stream.linear.gather [hbm4b:s3+s2], $0x800, $0x38;
	[tilespmem:$0x8000] =	vst v63  }
0x178: {  	_ = 	snop  }
0x179: {  	[tilespmem:s11], [sflag:$0x1] =	stream.linear.gather [hbm4b:s3+s2], $0x800, $0x38;
	[tilespmem:$0x8000] =	vst v63  }
0x17a: {  	_ = 	snop  }
0x17b: {  	[tilespmem:s12], [sflag:$0x1] =	stream.linear.gather [hbm4b:s3+s2], $0x800, $0x38;
	[tilespmem:$0x8000] =	vst v63  }
0x17c: {  	_ = 	snop  }
0x17d: {  	[tilespmem:s13], [sflag:$0x1] =	stream.linear.gather [hbm4b:s3+s2], $0x800, $0x38;
	[tilespmem:$0x8000] =	vst v63  }
0x17e: {  	_ = 	snop  }
0x17f: {  	[tilespmem:s14], [sflag:$0x1] =	stream.linear.gather [hbm4b:s3+s2], $0x800, $0x38;
	[tilespmem:$0x8000] =	vst v63  }
0x180: {  	_ = 	snop  }
0x181: {  	[tilespmem:s15], [sflag:$0x1] =	stream.linear.gather [hbm4b:s3+s2], $0x800, $0x38;
	[tilespmem:$0x8000] =	vst v63  }
0x182: {  	_ = 	snop  }
0x183: {  	[tilespmem:s16], [sflag:$0x1] =	stream.linear.gather [hbm4b:s3+s2], $0x800, $0x38;
	[tilespmem:$0x8000] =	vst v63  }
0x184: {  	_ = 	snop  }
0x185: {  	[tilespmem:s17], [sflag:$0x1] =	stream.linear.gather [hbm4b:s3+s2], $0x800, $0x38;
	[tilespmem:$0x8000] =	vst v63  }
0x186: {  	_ = 	snop  }
0x187: {  	[tilespmem:s19], [sflag:$0x1] =	stream.linear.gather [hbm4b:s3+s2], $0x800, $0x38;
	[tilespmem:$0x8000] =	vst v63  }
0x188: {  	_ =	swait.ge [sflag:s18], $0x800  }
0x189: {  	[sflag:s18] =	ssyncset.done $0x0  }
0x18a: {  	[sflag:s18] =	ssyncadd.s32 $0xFFFFF800  }
0x18b: {  	_ =	swait.ge [sflag:s18], $0x800  }
0x18c: {  	[sflag:s18] =	ssyncset.done $0x0  }
0x18d: {  	[sflag:s18] =	ssyncadd.s32 $0xFFFFF800  }
0x18e: {  	_ =	swait.ge [sflag:s18], $0x800  }
0x18f: {  	[sflag:s18] =	ssyncset.done $0x0  }
0x190: {  	[sflag:s18] =	ssyncadd.s32 $0xFFFFF800  }
0x191: {  	_ =	swait.ge [sflag:s18], $0x800  }
0x192: {  	[sflag:s18] =	ssyncset.done $0x0  }
0x193: {  	[sflag:s18] =	ssyncadd.s32 $0xFFFFF800  }
0x194: {  	_ =	swait.ge [sflag:s18], $0x800  }
0x195: {  	[sflag:s18] =	ssyncset.done $0x0  }
0x196: {  	[sflag:s18] =	ssyncadd.s32 $0xFFFFF800  }
0x197: {  	_ =	swait.ge [sflag:s18], $0x800  }
0x198: {  	[sflag:s18] =	ssyncset.done $0x0  }
0x199: {  	[sflag:s18] =	ssyncadd.s32 $0xFFFFF800  }
0x19a: {  	_ =	swait.ge [sflag:s18], $0x800  }
0x19b: {  	[sflag:s18] =	ssyncset.done $0x0  }
0x19c: {  	[sflag:s18] =	ssyncadd.s32 $0xFFFFF800  }
0x19d: {  	_ =	swait.ge [sflag:s18], $0x800  }
0x19e: {  	[sflag:s18] =	ssyncset.done $0x0  }
0x19f: {  	[sflag:s18] =	ssyncadd.s32 $0xFFFFF800  }
0x1a0: {  	_ =	swait.ge [sflag:s18], $0x800  }
0x1a1: {  	[sflag:s18] =	ssyncset.done $0x0  }
0x1a2: {  	[sflag:s18] =	ssyncadd.s32 $0xFFFFF800  }
0x1a3: {  	_ =	swait.ge [sflag:s18], $0x800  }
0x1a4: {  	[sflag:s18] =	ssyncset.done $0x0  }
0x1a5: {  	[sflag:s18] =	ssyncadd.s32 $0xFFFFF800  }
0x1a6: {  	_ =	swait.ge [sflag:s18], $0x800  }
0x1a7: {  	[sflag:s18] =	ssyncset.done $0x0  }
0x1a8: {  	[sflag:s18] =	ssyncadd.s32 $0xFFFFF800  }
0x1a9: {  	_ =	swait.ge [sflag:s18], $0x800  }
0x1aa: {  	[sflag:s18] =	ssyncset.done $0x0  }
0x1ab: {  	[sflag:s18] =	ssyncadd.s32 $0xFFFFF800  }
0x1ac: {  	_ =	swait.ge [sflag:s18], $0x800  }
0x1ad: {  	[sflag:s18] =	ssyncset.done $0x0  }
0x1ae: {  	[sflag:s18] =	ssyncadd.s32 $0xFFFFF800  }
0x1af: {  	_ =	swait.ge [sflag:s18], $0x800  }
0x1b0: {  	[sflag:s18] =	ssyncset.done $0x0  }
0x1b1: {  	[sflag:s18] =	ssyncadd.s32 $0xFFFFF800  }
0x1b2: {  	_ =	swait.ge [sflag:s18], $0x800  }
0x1b3: {  	[sflag:s18] =	ssyncset.done $0x0  }
0x1b4: {  	[sflag:s18] =	ssyncadd.s32 $0xFFFFF800  }
0x1b5: {  	_ =	swait.ge [sflag:s18], $0x800  }
0x1b6: {  	[sflag:s18] =	ssyncset.done $0x0  }
0x1b7: {  	s1 =	rddreg [dreg:$0x3];
	[sflag:s18] =	ssyncadd.s32 $0xFFFFF800  }
0x1b8: {  	[hbm4b:s1+s2] =	stream.linear.scatter [tilespmem:s2], [sflag:$0x1], $0x8000, $0x38;
	[tilespmem:$0x8000] =	vst v63  }
0x1b9: {  	s21 =	rddreg [dreg:$0x4]  }
0x1ba: {  	[hbm4b:s21+s2] =	stream.linear.scatter [tilespmem:s2], [sflag:$0x1], $0x8000, $0x38;
	[tilespmem:$0x8000] =	vst v63  }
0x1bb: {  	s1 =	rddreg [dreg:$0x5]  }
0x1bc: {  	[hbm4b:s1+s2] =	stream.linear.scatter [tilespmem:s2], [sflag:$0x1], $0x8000, $0x38;
	[tilespmem:$0x8000] =	vst v63  }
0x1bd: {  	s21 =	rddreg [dreg:$0x6]  }
0x1be: {  	[hbm4b:s21+s2] =	stream.linear.scatter [tilespmem:s2], [sflag:$0x1], $0x8000, $0x38;
	[tilespmem:$0x8000] =	vst v63  }
0x1bf: {  	s1 =	rddreg [dreg:$0x7]  }
0x1c0: {  	[hbm4b:s1+s2] =	stream.linear.scatter [tilespmem:s2], [sflag:$0x1], $0x8000, $0x38;
	[tilespmem:$0x8000] =	vst v63  }
0x1c1: {  	s21 =	rddreg [dreg:$0x8]  }
0x1c2: {  	[hbm4b:s21+s2] =	stream.linear.scatter [tilespmem:s2], [sflag:$0x1], $0x8000, $0x38;
	[tilespmem:$0x8000] =	vst v63  }
0x1c3: {  	s1 =	rddreg [dreg:$0x9]  }
0x1c4: {  	[hbm4b:s1+s2] =	stream.linear.scatter [tilespmem:s2], [sflag:$0x1], $0x8000, $0x38;
	[tilespmem:$0x8000] =	vst v63  }
0x1c5: {  	s21 =	rddreg [dreg:$0xa]  }
0x1c6: {  	[hbm4b:s21+s2] =	stream.linear.scatter [tilespmem:s2], [sflag:$0x1], $0x8000, $0x38;
	[tilespmem:$0x8000] =	vst v63  }
0x1c7: {  	_ =	swait.ge [sflag:s18], $0x8000  }
0x1c8: {  	[sflag:s18] =	ssyncset.done $0x0  }
0x1c9: {  	[sflag:s18] =	ssyncadd.s32 $0xFFFF8000  }
0x1ca: {  	_ =	swait.ge [sflag:s18], $0x8000  }
0x1cb: {  	[sflag:s18] =	ssyncset.done $0x0  }
0x1cc: {  	[sflag:s18] =	ssyncadd.s32 $0xFFFF8000  }
0x1cd: {  	_ =	swait.ge [sflag:s18], $0x8000  }
0x1ce: {  	[sflag:s18] =	ssyncset.done $0x0  }
0x1cf: {  	[sflag:s18] =	ssyncadd.s32 $0xFFFF8000  }
0x1d0: {  	_ =	swait.ge [sflag:s18], $0x8000  }
0x1d1: {  	[sflag:s18] =	ssyncset.done $0x0  }
0x1d2: {  	[sflag:s18] =	ssyncadd.s32 $0xFFFF8000  }
0x1d3: {  	_ =	swait.ge [sflag:s18], $0x8000  }
0x1d4: {  	[sflag:s18] =	ssyncset.done $0x0  }
0x1d5: {  	[sflag:s18] =	ssyncadd.s32 $0xFFFF8000  }
0x1d6: {  	_ =	swait.ge [sflag:s18], $0x8000  }
0x1d7: {  	[sflag:s18] =	ssyncset.done $0x0  }
0x1d8: {  	[sflag:s18] =	ssyncadd.s32 $0xFFFF8000  }
0x1d9: {  	_ =	swait.ge [sflag:s18], $0x8000  }
0x1da: {  	[sflag:s18] =	ssyncset.done $0x0  }
0x1db: {  	[sflag:s18] =	ssyncadd.s32 $0xFFFF8000  }
0x1dc: {  	_ =	swait.ge [sflag:s18], $0x8000  }
0x1dd: {  	[sflag:s18] =	ssyncset.done $0x0  }
0x1de: {  	[sflag:s18] =	ssyncadd.s32 $0xFFFF8000  }
0x1df: {  	[tilespmem:s2], [sflag:$0x1] =	stream.linear.gather [hbm4b:s20+s2], $0x800, $0x38;
	[tilespmem:$0x8000] =	vst v63  }
0x1e0: {  	_ = 	snop  }
0x1e1: {  	[tilespmem:s4], [sflag:$0x1] =	stream.linear.gather [hbm4b:s20+s2], $0x800, $0x38;
	[tilespmem:$0x8000] =	vst v63  }
0x1e2: {  	_ = 	snop  }
0x1e3: {  	[tilespmem:s5], [sflag:$0x1] =	stream.linear.gather [hbm4b:s20+s2], $0x800, $0x38;
	[tilespmem:$0x8000] =	vst v63  }
0x1e4: {  	_ = 	snop  }
0x1e5: {  	[tilespmem:s6], [sflag:$0x1] =	stream.linear.gather [hbm4b:s20+s2], $0x800, $0x38;
	[tilespmem:$0x8000] =	vst v63  }
0x1e6: {  	_ = 	snop  }
0x1e7: {  	[tilespmem:s7], [sflag:$0x1] =	stream.linear.gather [hbm4b:s20+s2], $0x800, $0x38;
	[tilespmem:$0x8000] =	vst v63  }
0x1e8: {  	_ = 	snop  }
0x1e9: {  	[tilespmem:s8], [sflag:$0x1] =	stream.linear.gather [hbm4b:s20+s2], $0x800, $0x38;
	[tilespmem:$0x8000] =	vst v63  }
0x1ea: {  	_ = 	snop  }
0x1eb: {  	[tilespmem:s9], [sflag:$0x1] =	stream.linear.gather [hbm4b:s20+s2], $0x800, $0x38;
	[tilespmem:$0x8000] =	vst v63  }
0x1ec: {  	_ = 	snop  }
0x1ed: {  	[tilespmem:s10], [sflag:$0x1] =	stream.linear.gather [hbm4b:s20+s2], $0x800, $0x38;
	[tilespmem:$0x8000] =	vst v63  }
0x1ee: {  	_ = 	snop  }
0x1ef: {  	[tilespmem:s11], [sflag:$0x1] =	stream.linear.gather [hbm4b:s20+s2], $0x800, $0x38;
	[tilespmem:$0x8000] =	vst v63  }
0x1f0: {  	_ = 	snop  }
0x1f1: {  	[tilespmem:s12], [sflag:$0x1] =	stream.linear.gather [hbm4b:s20+s2], $0x800, $0x38;
	[tilespmem:$0x8000] =	vst v63  }
0x1f2: {  	_ = 	snop  }
0x1f3: {  	[tilespmem:s13], [sflag:$0x1] =	stream.linear.gather [hbm4b:s20+s2], $0x800, $0x38;
	[tilespmem:$0x8000] =	vst v63  }
0x1f4: {  	_ = 	snop  }
0x1f5: {  	[tilespmem:s14], [sflag:$0x1] =	stream.linear.gather [hbm4b:s20+s2], $0x800, $0x38;
	[tilespmem:$0x8000] =	vst v63  }
0x1f6: {  	_ = 	snop  }
0x1f7: {  	[tilespmem:s15], [sflag:$0x1] =	stream.linear.gather [hbm4b:s20+s2], $0x800, $0x38;
	[tilespmem:$0x8000] =	vst v63  }
0x1f8: {  	_ = 	snop  }
0x1f9: {  	[tilespmem:s16], [sflag:$0x1] =	stream.linear.gather [hbm4b:s20+s2], $0x800, $0x38;
	[tilespmem:$0x8000] =	vst v63  }
0x1fa: {  	_ = 	snop  }
0x1fb: {  	[tilespmem:s17], [sflag:$0x1] =	stream.linear.gather [hbm4b:s20+s2], $0x800, $0x38;
	[tilespmem:$0x8000] =	vst v63  }
0x1fc: {  	_ = 	snop  }
0x1fd: {  	[tilespmem:s19], [sflag:$0x1] =	stream.linear.gather [hbm4b:s20+s2], $0x800, $0x38;
	[tilespmem:$0x8000] =	vst v63  }
0x1fe: {  	_ =	swait.ge [sflag:s18], $0x800  }
0x1ff: {  	[sflag:s18] =	ssyncset.done $0x0  }
0x200: {  	[sflag:s18] =	ssyncadd.s32 $0xFFFFF800  }
0x201: {  	_ =	swait.ge [sflag:s18], $0x800  }
0x202: {  	[sflag:s18] =	ssyncset.done $0x0  }
0x203: {  	[sflag:s18] =	ssyncadd.s32 $0xFFFFF800  }
0x204: {  	_ =	swait.ge [sflag:s18], $0x800  }
0x205: {  	[sflag:s18] =	ssyncset.done $0x0  }
0x206: {  	[sflag:s18] =	ssyncadd.s32 $0xFFFFF800  }
0x207: {  	_ =	swait.ge [sflag:s18], $0x800  }
0x208: {  	[sflag:s18] =	ssyncset.done $0x0  }
0x209: {  	[sflag:s18] =	ssyncadd.s32 $0xFFFFF800  }
0x20a: {  	_ =	swait.ge [sflag:s18], $0x800  }
0x20b: {  	[sflag:s18] =	ssyncset.done $0x0  }
0x20c: {  	[sflag:s18] =	ssyncadd.s32 $0xFFFFF800  }
0x20d: {  	_ =	swait.ge [sflag:s18], $0x800  }
0x20e: {  	[sflag:s18] =	ssyncset.done $0x0  }
0x20f: {  	[sflag:s18] =	ssyncadd.s32 $0xFFFFF800  }
0x210: {  	_ =	swait.ge [sflag:s18], $0x800  }
0x211: {  	[sflag:s18] =	ssyncset.done $0x0  }
0x212: {  	[sflag:s18] =	ssyncadd.s32 $0xFFFFF800  }
0x213: {  	_ =	swait.ge [sflag:s18], $0x800  }
0x214: {  	[sflag:s18] =	ssyncset.done $0x0  }
0x215: {  	[sflag:s18] =	ssyncadd.s32 $0xFFFFF800  }
0x216: {  	_ =	swait.ge [sflag:s18], $0x800  }
0x217: {  	[sflag:s18] =	ssyncset.done $0x0  }
0x218: {  	[sflag:s18] =	ssyncadd.s32 $0xFFFFF800  }
0x219: {  	_ =	swait.ge [sflag:s18], $0x800  }
0x21a: {  	[sflag:s18] =	ssyncset.done $0x0  }
0x21b: {  	[sflag:s18] =	ssyncadd.s32 $0xFFFFF800  }
0x21c: {  	_ =	swait.ge [sflag:s18], $0x800  }
0x21d: {  	[sflag:s18] =	ssyncset.done $0x0  }
0x21e: {  	[sflag:s18] =	ssyncadd.s32 $0xFFFFF800  }
0x21f: {  	_ =	swait.ge [sflag:s18], $0x800  }
0x220: {  	[sflag:s18] =	ssyncset.done $0x0  }
0x221: {  	[sflag:s18] =	ssyncadd.s32 $0xFFFFF800  }
0x222: {  	_ =	swait.ge [sflag:s18], $0x800  }
0x223: {  	[sflag:s18] =	ssyncset.done $0x0  }
0x224: {  	[sflag:s18] =	ssyncadd.s32 $0xFFFFF800  }
0x225: {  	_ =	swait.ge [sflag:s18], $0x800  }
0x226: {  	[sflag:s18] =	ssyncset.done $0x0  }
0x227: {  	[sflag:s18] =	ssyncadd.s32 $0xFFFFF800  }
0x228: {  	_ =	swait.ge [sflag:s18], $0x800  }
0x229: {  	[sflag:s18] =	ssyncset.done $0x0  }
0x22a: {  	[sflag:s18] =	ssyncadd.s32 $0xFFFFF800  }
0x22b: {  	_ =	swait.ge [sflag:s18], $0x800  }
0x22c: {  	[sflag:s18] =	ssyncset.done $0x0  }
0x22d: {  	s1 =	rddreg [dreg:$0xb];
	[sflag:s18] =	ssyncadd.s32 $0xFFFFF800  }
0x22e: {  	[hbm4b:s1+s2] =	stream.linear.scatter [tilespmem:s2], [sflag:$0x1], $0x8000, $0x38;
	[tilespmem:$0x8000] =	vst v63  }
0x22f: {  	s21 =	rddreg [dreg:$0xc]  }
0x230: {  	[hbm4b:s21+s2] =	stream.linear.scatter [tilespmem:s2], [sflag:$0x1], $0x8000, $0x38;
	[tilespmem:$0x8000] =	vst v63  }
0x231: {  	s1 =	rddreg [dreg:$0xd]  }
0x232: {  	[hbm4b:s1+s2] =	stream.linear.scatter [tilespmem:s2], [sflag:$0x1], $0x8000, $0x38;
	[tilespmem:$0x8000] =	vst v63  }
0x233: {  	s21 =	rddreg [dreg:$0xe]  }
0x234: {  	[hbm4b:s21+s2] =	stream.linear.scatter [tilespmem:s2], [sflag:$0x1], $0x8000, $0x38;
	[tilespmem:$0x8000] =	vst v63  }
0x235: {  	s1 =	rddreg [dreg:$0xf]  }
0x236: {  	[hbm4b:s1+s2] =	stream.linear.scatter [tilespmem:s2], [sflag:$0x1], $0x8000, $0x38;
	[tilespmem:$0x8000] =	vst v63  }
0x237: {  	s21 =	rddreg [dreg:$0x10]  }
0x238: {  	[hbm4b:s21+s2] =	stream.linear.scatter [tilespmem:s2], [sflag:$0x1], $0x8000, $0x38;
	[tilespmem:$0x8000] =	vst v63  }
0x239: {  	s1 =	rddreg [dreg:$0x11]  }
0x23a: {  	[hbm4b:s1+s2] =	stream.linear.scatter [tilespmem:s2], [sflag:$0x1], $0x8000, $0x38;
	[tilespmem:$0x8000] =	vst v63  }
0x23b: {  	s21 =	rddreg [dreg:$0x12]  }
0x23c: {  	[hbm4b:s21+s2] =	stream.linear.scatter [tilespmem:s2], [sflag:$0x1], $0x8000, $0x38;
	[tilespmem:$0x8000] =	vst v63  }
0x23d: {  	_ =	swait.ge [sflag:s18], $0x8000  }
0x23e: {  	[sflag:s18] =	ssyncset.done $0x0  }
0x23f: {  	[sflag:s18] =	ssyncadd.s32 $0xFFFF8000  }
0x240: {  	_ =	swait.ge [sflag:s18], $0x8000  }
0x241: {  	[sflag:s18] =	ssyncset.done $0x0  }
0x242: {  	[sflag:s18] =	ssyncadd.s32 $0xFFFF8000  }
0x243: {  	_ =	swait.ge [sflag:s18], $0x8000  }
0x244: {  	[sflag:s18] =	ssyncset.done $0x0  }
0x245: {  	[sflag:s18] =	ssyncadd.s32 $0xFFFF8000  }
0x246: {  	_ =	swait.ge [sflag:s18], $0x8000  }
0x247: {  	[sflag:s18] =	ssyncset.done $0x0  }
0x248: {  	[sflag:s18] =	ssyncadd.s32 $0xFFFF8000  }
0x249: {  	_ =	swait.ge [sflag:s18], $0x8000  }
0x24a: {  	[sflag:s18] =	ssyncset.done $0x0  }
0x24b: {  	[sflag:s18] =	ssyncadd.s32 $0xFFFF8000  }
0x24c: {  	_ =	swait.ge [sflag:s18], $0x8000  }
0x24d: {  	[sflag:s18] =	ssyncset.done $0x0  }
0x24e: {  	[sflag:s18] =	ssyncadd.s32 $0xFFFF8000  }
0x24f: {  	_ =	swait.ge [sflag:s18], $0x8000  }
0x250: {  	[sflag:s18] =	ssyncset.done $0x0  }
0x251: {  	[sflag:s18] =	ssyncadd.s32 $0xFFFF8000  }
0x252: {  	_ =	swait.ge [sflag:s18], $0x8000  }
0x253: {  	[sflag:s18] =	ssyncset.done $0x0  }
0x254: {  	[sflag:s18] =	ssyncadd.s32 $0xFFFF8000  }
0x255: {  	[tilespmem:s2], [sflag:$0x1] =	stream.linear.gather [hbm4b:s22+s2], $0x800, $0x38;
	[tilespmem:$0x8000] =	vst v63  }
0x256: {  	_ = 	snop  }
0x257: {  	[tilespmem:s4], [sflag:$0x1] =	stream.linear.gather [hbm4b:s22+s2], $0x800, $0x38;
	[tilespmem:$0x8000] =	vst v63  }
0x258: {  	_ = 	snop  }
0x259: {  	[tilespmem:s5], [sflag:$0x1] =	stream.linear.gather [hbm4b:s22+s2], $0x800, $0x38;
	[tilespmem:$0x8000] =	vst v63  }
0x25a: {  	_ = 	snop  }
0x25b: {  	[tilespmem:s6], [sflag:$0x1] =	stream.linear.gather [hbm4b:s22+s2], $0x800, $0x38;
	[tilespmem:$0x8000] =	vst v63  }
0x25c: {  	_ = 	snop  }
0x25d: {  	[tilespmem:s7], [sflag:$0x1] =	stream.linear.gather [hbm4b:s22+s2], $0x800, $0x38;
	[tilespmem:$0x8000] =	vst v63  }
0x25e: {  	_ = 	snop  }
0x25f: {  	[tilespmem:s8], [sflag:$0x1] =	stream.linear.gather [hbm4b:s22+s2], $0x800, $0x38;
	[tilespmem:$0x8000] =	vst v63  }
0x260: {  	_ = 	snop  }
0x261: {  	[tilespmem:s9], [sflag:$0x1] =	stream.linear.gather [hbm4b:s22+s2], $0x800, $0x38;
	[tilespmem:$0x8000] =	vst v63  }
0x262: {  	_ = 	snop  }
0x263: {  	[tilespmem:s10], [sflag:$0x1] =	stream.linear.gather [hbm4b:s22+s2], $0x800, $0x38;
	[tilespmem:$0x8000] =	vst v63  }
0x264: {  	_ = 	snop  }
0x265: {  	[tilespmem:s11], [sflag:$0x1] =	stream.linear.gather [hbm4b:s22+s2], $0x800, $0x38;
	[tilespmem:$0x8000] =	vst v63  }
0x266: {  	_ = 	snop  }
0x267: {  	[tilespmem:s12], [sflag:$0x1] =	stream.linear.gather [hbm4b:s22+s2], $0x800, $0x38;
	[tilespmem:$0x8000] =	vst v63  }
0x268: {  	_ = 	snop  }
0x269: {  	[tilespmem:s13], [sflag:$0x1] =	stream.linear.gather [hbm4b:s22+s2], $0x800, $0x38;
	[tilespmem:$0x8000] =	vst v63  }
0x26a: {  	_ = 	snop  }
0x26b: {  	[tilespmem:s14], [sflag:$0x1] =	stream.linear.gather [hbm4b:s22+s2], $0x800, $0x38;
	[tilespmem:$0x8000] =	vst v63  }
0x26c: {  	_ = 	snop  }
0x26d: {  	[tilespmem:s15], [sflag:$0x1] =	stream.linear.gather [hbm4b:s22+s2], $0x800, $0x38;
	[tilespmem:$0x8000] =	vst v63  }
0x26e: {  	_ = 	snop  }
0x26f: {  	[tilespmem:s16], [sflag:$0x1] =	stream.linear.gather [hbm4b:s22+s2], $0x800, $0x38;
	[tilespmem:$0x8000] =	vst v63  }
0x270: {  	_ = 	snop  }
0x271: {  	[tilespmem:s17], [sflag:$0x1] =	stream.linear.gather [hbm4b:s22+s2], $0x800, $0x38;
	[tilespmem:$0x8000] =	vst v63  }
0x272: {  	_ = 	snop  }
0x273: {  	[tilespmem:s19], [sflag:$0x1] =	stream.linear.gather [hbm4b:s22+s2], $0x800, $0x38;
	[tilespmem:$0x8000] =	vst v63  }
0x274: {  	_ =	swait.ge [sflag:s18], $0x800  }
0x275: {  	[sflag:s18] =	ssyncset.done $0x0  }
0x276: {  	[sflag:s18] =	ssyncadd.s32 $0xFFFFF800  }
0x277: {  	_ =	swait.ge [sflag:s18], $0x800  }
0x278: {  	[sflag:s18] =	ssyncset.done $0x0  }
0x279: {  	[sflag:s18] =	ssyncadd.s32 $0xFFFFF800  }
0x27a: {  	_ =	swait.ge [sflag:s18], $0x800  }
0x27b: {  	[sflag:s18] =	ssyncset.done $0x0  }
0x27c: {  	[sflag:s18] =	ssyncadd.s32 $0xFFFFF800  }
0x27d: {  	_ =	swait.ge [sflag:s18], $0x800  }
0x27e: {  	[sflag:s18] =	ssyncset.done $0x0  }
0x27f: {  	[sflag:s18] =	ssyncadd.s32 $0xFFFFF800  }
0x280: {  	_ =	swait.ge [sflag:s18], $0x800  }
0x281: {  	[sflag:s18] =	ssyncset.done $0x0  }
0x282: {  	[sflag:s18] =	ssyncadd.s32 $0xFFFFF800  }
0x283: {  	_ =	swait.ge [sflag:s18], $0x800  }
0x284: {  	[sflag:s18] =	ssyncset.done $0x0  }
0x285: {  	[sflag:s18] =	ssyncadd.s32 $0xFFFFF800  }
0x286: {  	_ =	swait.ge [sflag:s18], $0x800  }
0x287: {  	[sflag:s18] =	ssyncset.done $0x0  }
0x288: {  	[sflag:s18] =	ssyncadd.s32 $0xFFFFF800  }
0x289: {  	_ =	swait.ge [sflag:s18], $0x800  }
0x28a: {  	[sflag:s18] =	ssyncset.done $0x0  }
0x28b: {  	[sflag:s18] =	ssyncadd.s32 $0xFFFFF800  }
0x28c: {  	_ =	swait.ge [sflag:s18], $0x800  }
0x28d: {  	[sflag:s18] =	ssyncset.done $0x0  }
0x28e: {  	[sflag:s18] =	ssyncadd.s32 $0xFFFFF800  }
0x28f: {  	_ =	swait.ge [sflag:s18], $0x800  }
0x290: {  	[sflag:s18] =	ssyncset.done $0x0  }
0x291: {  	[sflag:s18] =	ssyncadd.s32 $0xFFFFF800  }
0x292: {  	_ =	swait.ge [sflag:s18], $0x800  }
0x293: {  	[sflag:s18] =	ssyncset.done $0x0  }
0x294: {  	[sflag:s18] =	ssyncadd.s32 $0xFFFFF800  }
0x295: {  	_ =	swait.ge [sflag:s18], $0x800  }
0x296: {  	[sflag:s18] =	ssyncset.done $0x0  }
0x297: {  	[sflag:s18] =	ssyncadd.s32 $0xFFFFF800  }
0x298: {  	_ =	swait.ge [sflag:s18], $0x800  }
0x299: {  	[sflag:s18] =	ssyncset.done $0x0  }
0x29a: {  	[sflag:s18] =	ssyncadd.s32 $0xFFFFF800  }
0x29b: {  	_ =	swait.ge [sflag:s18], $0x800  }
0x29c: {  	[sflag:s18] =	ssyncset.done $0x0  }
0x29d: {  	[sflag:s18] =	ssyncadd.s32 $0xFFFFF800  }
0x29e: {  	_ =	swait.ge [sflag:s18], $0x800  }
0x29f: {  	[sflag:s18] =	ssyncset.done $0x0  }
0x2a0: {  	[sflag:s18] =	ssyncadd.s32 $0xFFFFF800  }
0x2a1: {  	_ =	swait.ge [sflag:s18], $0x800  }
0x2a2: {  	[sflag:s18] =	ssyncset.done $0x0  }
0x2a3: {  	[sflag:s18] =	ssyncadd.s32 $0xFFFFF800  }
0x2a4: {  	[hbm4b:s23+s2] =	stream.linear.scatter [tilespmem:s2], [sflag:$0x1], $0x8000, $0x38;
	[tilespmem:$0x8000] =	vst v63  }
0x2a5: {  	_ = 	snop  }
0x2a6: {  	[hbm4b:s24+s2] =	stream.linear.scatter [tilespmem:s2], [sflag:$0x1], $0x8000, $0x38;
	[tilespmem:$0x8000] =	vst v63  }
0x2a7: {  	_ = 	snop  }
0x2a8: {  	[hbm4b:s25+s2] =	stream.linear.scatter [tilespmem:s2], [sflag:$0x1], $0x8000, $0x38;
	[tilespmem:$0x8000] =	vst v63  }
0x2a9: {  	_ = 	snop  }
0x2aa: {  	[hbm4b:s26+s2] =	stream.linear.scatter [tilespmem:s2], [sflag:$0x1], $0x8000, $0x38;
	[tilespmem:$0x8000] =	vst v63  }
0x2ab: {  	_ = 	snop  }
0x2ac: {  	[hbm4b:s28+s2] =	stream.linear.scatter [tilespmem:s2], [sflag:$0x1], $0x8000, $0x38;
	[tilespmem:$0x8000] =	vst v63  }
0x2ad: {  	_ = 	snop  }
0x2ae: {  	[hbm4b:s29+s2] =	stream.linear.scatter [tilespmem:s2], [sflag:$0x1], $0x8000, $0x38;
	[tilespmem:$0x8000] =	vst v63  }
0x2af: {  	_ = 	snop  }
0x2b0: {  	[hbm4b:s30+s2] =	stream.linear.scatter [tilespmem:s2], [sflag:$0x1], $0x8000, $0x38;
	[tilespmem:$0x8000] =	vst v63  }
0x2b1: {  	_ = 	snop  }
0x2b2: {  	[hbm4b:s31+s2] =	stream.linear.scatter [tilespmem:s2], [sflag:$0x1], $0x8000, $0x38;
	[tilespmem:$0x8000] =	vst v63  }
0x2b3: {  	_ =	swait.ge [sflag:s18], $0x8000  }
0x2b4: {  	[sflag:s18] =	ssyncset.done $0x0  }
0x2b5: {  	[sflag:s18] =	ssyncadd.s32 $0xFFFF8000  }
0x2b6: {  	_ =	swait.ge [sflag:s18], $0x8000  }
0x2b7: {  	[sflag:s18] =	ssyncset.done $0x0  }
0x2b8: {  	[sflag:s18] =	ssyncadd.s32 $0xFFFF8000  }
0x2b9: {  	_ =	swait.ge [sflag:s18], $0x8000  }
0x2ba: {  	[sflag:s18] =	ssyncset.done $0x0  }
0x2bb: {  	[sflag:s18] =	ssyncadd.s32 $0xFFFF8000  }
0x2bc: {  	_ =	swait.ge [sflag:s18], $0x8000  }
0x2bd: {  	[sflag:s18] =	ssyncset.done $0x0  }
0x2be: {  	[sflag:s18] =	ssyncadd.s32 $0xFFFF8000  }
0x2bf: {  	_ =	swait.ge [sflag:s18], $0x8000  }
0x2c0: {  	[sflag:s18] =	ssyncset.done $0x0  }
0x2c1: {  	[sflag:s18] =	ssyncadd.s32 $0xFFFF8000  }
0x2c2: {  	_ =	swait.ge [sflag:s18], $0x8000  }
0x2c3: {  	[sflag:s18] =	ssyncset.done $0x0  }
0x2c4: {  	p0 =	sne.s32 s0, $0x1;
	[sflag:s18] =	ssyncadd.s32 $0xFFFF8000  }
.Ltmp1:
0x2c5: {  	_ =	swait.ge [sflag:s18], $0x8000;
	(pc) =	sbr.rel @p0 .LBB2_1-.Ltmp1, $4  }
0x2c6: {  	[sflag:s18] =	ssyncset.done $0x0  }
0x2c7: {  	[sflag:s18] =	ssyncadd.s32 $0xFFFF8000  }
0x2c8: {  	_ =	swait.ge [sflag:s18], $0x8000  }
0x2c9: {  	s0 =	sadd.s32 $0xFFFFFFFF, s0;
	[sflag:s18] =	ssyncset.done $0x0  }
.LBB2_2:
0x2ca: {  	[sflag:s18] =	ssyncadd.s32 $0xFFFF8000  }
0x2cb: {  	_ =	sfence.sel $0x180000  }
0x2cc: {  	[bflag:$0x0] =	sbarrier.arrive $0xFFFF  }
0x2cd: {  	_ =	strace $0x90000047  }
0x2ce: {  	s0 =	stileid.u32;
	[bflag:$0x2] =	sbarrier.arrive $0xFFFF  }
0x2cf: {  	p0 =	sne.s32 s0, $0x0;
	s0 =	rddreg [dreg:$0x2]  }
0x2d0: {  	s0 =	sadd.s32 @!p0 $0x100000, s0  }
0x2d1: {  	[sflag:s0] =	ssyncadd.tile.s32 @!p0 $0x1;
	_ =	shalt  }
.Lfunc_end2:
_tile_overlayer_lowered:
.L_overlay_start_2:
0x2d2: {  	(tag) =	ssettag $0x2  }
0x2d3: {  	s0 =	rddreg [dreg:$0x0];
	s2 =	stileid.u32  }
0x2d4: {  	s1 =	rddreg [dreg:$0x1];
	p0 =	sne.s32 s2, $0x0  }
0x2d5: {  	s3 =	rddreg [dreg:$0x2];
	[bflag:$0x3] =	sbarrier.arrive $0xFFFF;
	s2 =	simm.s32 @!p0 $0x1C02  }
0x2d6: {  	[timem:s3], [sflag:s2] =	dma.local @!p0 [hbm:s0], s1  }
0x2d7: {  	s0 =	simm.s32 @!p0 $0x2  }
0x2d8: {  	_ =	swait.ge @!p0 [sflag:s0], s1  }
0x2d9: {  	s1 =	ssub.s32 @!p0 $0x0, s1;
	[sflag:s0] =	ssyncset.done @!p0 $0x0  }
0x2da: {  	[sflag:s0] =	ssyncadd.s32 @!p0 s1  }
0x2db: {  	[bflag:$0x3] =	sbarrier.arrive $0xFFFF  }
0x2dc: {  	_ =	shalt  }

</sc_bundles>
